<compile_context>
chip_gen: v7x
topology: tpu7x:2x2x1
jax: 0.10.2.dev20260603
libtpu: 0.0.44.dev20260713+nightly
codegen_flags: <defaults>
</compile_context>

<pallas_src>
import functools

import numpy as np
import jax
import jax.numpy as jnp
from jax import lax
from jax.experimental import pallas as pl
from jax.experimental.pallas import tpu as pltpu
from jax.experimental.pallas import tpu_sc as plsc

_LEVELS = (8, 8, 8, 8, 6, 5)
_EPS = 1e-3


def _sgn_i(v):
    return (v > 0) - (v < 0)


def _gilbert2d(x, y, ax, ay, bx, by, out):
    w = abs(ax + ay)
    h = abs(bx + by)
    dax, day = _sgn_i(ax), _sgn_i(ay)
    dbx, dby = _sgn_i(bx), _sgn_i(by)
    if h == 1:
        for _ in range(w):
            out.append((x, y))
            x += dax
            y += day
        return
    if w == 1:
        for _ in range(h):
            out.append((x, y))
            x += dbx
            y += dby
        return
    ax2, ay2 = ax // 2, ay // 2
    bx2, by2 = bx // 2, by // 2
    w2, h2 = abs(ax2 + ay2), abs(bx2 + by2)
    if 2 * w > 3 * h:
        if (w2 % 2) and (w > 2):
            ax2 += dax
            ay2 += day
        _gilbert2d(x, y, ax2, ay2, bx, by, out)
        _gilbert2d(x + ax2, y + ay2, ax - ax2, ay - ay2, bx, by, out)
    else:
        if (h2 % 2) and (h > 2):
            bx2 += dbx
            by2 += dby
        _gilbert2d(x, y, bx2, by2, ax2, ay2, out)
        _gilbert2d(x + bx2, y + by2, ax, ay, bx - bx2, by - by2, out)
        _gilbert2d(x + ax2 + (bx - bx2), y + ay2 + (by - by2),
                   -bx2, -by2, -(ax - ax2), -(ay - ay2), out)


def _g2h_table(L0, L1):
    pts = []
    if L0 >= L1:
        _gilbert2d(0, 0, L0, 0, 0, L1, pts)
    else:
        _gilbert2d(0, 0, 0, L1, L0, 0, pts)
    g2h = np.zeros((L0, L1), dtype=np.int32)
    for h, (xx, yy) in enumerate(pts):
        g2h[xx, yy] = h
    return g2h


def _build_consts():
    thresh = []
    for L in _LEVELS:
        hw = L // 2
        half_l = (L - 1) * (1.0 + _EPS) / 2.0
        offset = 0.5 if L % 2 == 0 else 0.0
        shift = float(np.arctanh(offset / half_l))
        ts = [float(np.arctanh((k + 0.5 - hw + offset) / half_l) - shift)
              for k in range(L - 1)]
        thresh.append(tuple(np.float32(t) for t in ts))
    thresh = tuple(thresh)

    cmaps = []
    for L in _LEVELS:
        hw = np.float32(L // 2)
        c = np.arange(L, dtype=np.float32)
        q = (c - hw) / hw
        back = ((q * hw).astype(np.float32) + hw).astype(np.float32)
        cmaps.append(back.astype(np.int32))

    g2h0 = _g2h_table(8, 8)
    g2h2 = _g2h_table(6, 5)
    lut = np.zeros(160, dtype=np.int32)
    lut[0:64] = g2h0[cmaps[0], :][:, cmaps[1]].reshape(-1)
    lut[64:128] = g2h0[cmaps[2], :][:, cmaps[3]].reshape(-1) * 64
    lut[128:158] = g2h2[cmaps[4], :][:, cmaps[5]].reshape(-1) * 4096
    return thresh, lut


_THRESH, _LUT = _build_consts()


def _build_quant_luts():
    qlo = np.zeros(160, dtype=np.float32)
    qhi = np.zeros(160, dtype=np.float32)
    i = np.arange(64)
    qlo[0:64] = ((i // 8).astype(np.float32) - 4.0) / np.float32(4.0)
    qhi[0:64] = ((i % 8).astype(np.float32) - 4.0) / np.float32(4.0)
    qlo[64:128] = qlo[0:64]
    qhi[64:128] = qhi[0:64]
    j = np.arange(30)
    qlo[128:158] = ((j // 5).astype(np.float32) - 3.0) / np.float32(3.0)
    qhi[128:158] = ((j % 5).astype(np.float32) - 2.0) / np.float32(2.0)
    return qlo, qhi


_QLO, _QHI = _build_quant_luts()

_N_TOK = 64 * 1024
_DIM = 6
_NW = 32
_TOK_PER_W = _N_TOK // _NW
_VAL_PER_W = _TOK_PER_W * _DIM
_GROUPS = _TOK_PER_W // 16


_PAIR_SCALE = (8, 8, 5)
_PAIR_OFF = (0, 64, 128)


_HALF_G = _GROUPS // 2
_HALF_V = _VAL_PER_W // 2
_HALF_T = _TOK_PER_W // 2


def _fsq_body(lat_hbm, lut_hbm, qlo_hbm, qhi_hbm, quant_hbm, tok_hbm,
              zbuf, qbuf, tokbuf, lutbuf, qlobuf, qhibuf,
              sem_in0, sem_in1, sem_q, sem_t):
    wid = lax.axis_index("s") * 2 + lax.axis_index("c")
    base_v = wid * _VAL_PER_W
    base_t = wid * _TOK_PER_W

    in0 = pltpu.async_copy(lat_hbm.at[pl.ds(base_v, _HALF_V)],
                           zbuf.at[pl.ds(0, _HALF_V)], sem_in0)
    in1 = pltpu.async_copy(lat_hbm.at[pl.ds(base_v + _HALF_V, _HALF_V)],
                           zbuf.at[pl.ds(_HALF_V, _HALF_V)], sem_in1)
    pltpu.sync_copy(lut_hbm, lutbuf)
    pltpu.sync_copy(qlo_hbm, qlobuf)
    pltpu.sync_copy(qhi_hbm, qhibuf)

    iota6 = lax.iota(jnp.int32, 16) * 6

    def _tree_sum(vs):
        while len(vs) > 1:
            nxt = [vs[i] + vs[i + 1] for i in range(0, len(vs) - 1, 2)]
            if len(vs) % 2:
                nxt.append(vs[-1])
            vs = nxt
        return vs[0]

    def group(g, carry):
        t6 = g * 96 + iota6
        idx = [t6 + ch for ch in range(_DIM)]
        zs = [plsc.load_gather(zbuf, [idx[ch]]) for ch in range(_DIM)]
        pair_idx = []
        for p in range(3):
            cha, chb = 2 * p, 2 * p + 1
            acc = jnp.full((16,), _PAIR_OFF[p], jnp.int32)
            for t in _THRESH[cha]:
                acc = jnp.where(zs[cha] > t, acc + _PAIR_SCALE[p], acc)
            for t in _THRESH[chb]:
                acc = jnp.where(zs[chb] > t, acc + 1, acc)
            plsc.store_scatter(qbuf, [idx[cha]],
                               plsc.load_gather(qlobuf, [acc]))
            plsc.store_scatter(qbuf, [idx[chb]],
                               plsc.load_gather(qhibuf, [acc]))
            pair_idx.append(acc)
        tok = (plsc.load_gather(lutbuf, [pair_idx[0]])
               + plsc.load_gather(lutbuf, [pair_idx[1]])
               + plsc.load_gather(lutbuf, [pair_idx[2]]))
        tokbuf[pl.ds(g * 16, 16)] = tok
        return carry

    in0.wait()
    lax.fori_loop(0, _HALF_G, group, 0)
    out_q0 = pltpu.async_copy(qbuf.at[pl.ds(0, _HALF_V)],
                              quant_hbm.at[pl.ds(base_v, _HALF_V)], sem_q)
    out_t0 = pltpu.async_copy(tokbuf.at[pl.ds(0, _HALF_T)],
                              tok_hbm.at[pl.ds(base_t, _HALF_T)], sem_t)

    in1.wait()
    lax.fori_loop(_HALF_G, _GROUPS, group, 0)
    out_q1 = pltpu.async_copy(qbuf.at[pl.ds(_HALF_V, _HALF_V)],
                              quant_hbm.at[pl.ds(base_v + _HALF_V, _HALF_V)],
                              sem_q)
    out_t1 = pltpu.async_copy(tokbuf.at[pl.ds(_HALF_T, _HALF_T)],
                              tok_hbm.at[pl.ds(base_t + _HALF_T, _HALF_T)],
                              sem_t)
    out_q0.wait()
    out_t0.wait()
    out_q1.wait()
    out_t1.wait()


@jax.jit
def kernel(latents):
    lat_flat = latents.reshape(-1)
    mesh = plsc.VectorSubcoreMesh(core_axis_name="c", subcore_axis_name="s")
    fsq = functools.partial(
        pl.kernel,
        mesh=mesh,
        out_type=[
            jax.ShapeDtypeStruct((_N_TOK * _DIM,), jnp.float32),
            jax.ShapeDtypeStruct((_N_TOK,), jnp.int32),
        ],
        scratch_types=[
            pltpu.VMEM((_VAL_PER_W,), jnp.float32),
            pltpu.VMEM((_VAL_PER_W,), jnp.float32),
            pltpu.VMEM((_TOK_PER_W,), jnp.int32),
            pltpu.VMEM((160,), jnp.int32),
            pltpu.VMEM((160,), jnp.float32),
            pltpu.VMEM((160,), jnp.float32),
            pltpu.SemaphoreType.DMA,
            pltpu.SemaphoreType.DMA,
            pltpu.SemaphoreType.DMA,
            pltpu.SemaphoreType.DMA,
        ],
        compiler_params=pltpu.CompilerParams(needs_layout_passes=False),
    )(_fsq_body)
    quant_flat, tok_flat = fsq(lat_flat, jnp.asarray(_LUT),
                               jnp.asarray(_QLO), jnp.asarray(_QHI))
    return (quant_flat.reshape(latents.shape),
            tok_flat.reshape(latents.shape[:2]))

# --- scband reference (transcript-rebuilt; emitter-appended) ---
"""Pipeline reference for scband-product-hilbert-fsq-30932354466106 (READ-ONLY COPY).

The authoritative reference and input builder live on the scoring server;
editing this copy changes nothing except your own understanding.
"""

import jax, jax.numpy as jnp
import numpy as np

LEVELS = np.array([8, 8, 8, 8, 6, 5], dtype=np.int32)
DIM = len(LEVELS)
NUM_PAIRS = DIM // 2
HAS_REMAINDER = (DIM % 2 == 1)
EPS = 1e-3


def _sgn(v):
    return (v > 0) - (v < 0)


def _generate2d(x, y, ax, ay, bx, by, out):
    # generalized Hilbert ('gilbert') curve for arbitrary 2D rectangles
    w = abs(ax + ay)
    h = abs(bx + by)
    dax, day = _sgn(ax), _sgn(ay)
    dbx, dby = _sgn(bx), _sgn(by)
    if h == 1:
        for _ in range(w):
            out.append((x, y))
            x += dax
            y += day
        return
    if w == 1:
        for _ in range(h):
            out.append((x, y))
            x += dbx
            y += dby
        return
    ax2, ay2 = ax // 2, ay // 2
    bx2, by2 = bx // 2, by // 2
    w2, h2 = abs(ax2 + ay2), abs(bx2 + by2)
    if 2 * w > 3 * h:
        if (w2 % 2) and (w > 2):
            ax2 += dax
            ay2 += day
        _generate2d(x, y, ax2, ay2, bx, by, out)
        _generate2d(x + ax2, y + ay2, ax - ax2, ay - ay2, bx, by, out)
    else:
        if (h2 % 2) and (h > 2):
            bx2 += dbx
            by2 += dby
        _generate2d(x, y, bx2, by2, ax2, ay2, out)
        _generate2d(x + bx2, y + by2, ax, ay, bx - bx2, by - by2, out)
        _generate2d(x + ax2 + (bx - bx2), y + ay2 + (by - by2), -bx2, -by2, -(ax - ax2), -(ay - ay2), out)


def build_hilbert_lut(L0, L1):
    pts = []
    if L0 >= L1:
        _generate2d(0, 0, L0, 0, 0, L1, pts)
    else:
        _generate2d(0, 0, 0, L1, L0, 0, pts)
    g2h = np.zeros((L0, L1), dtype=np.int32)
    h2g = np.zeros((L0 * L1, 2), dtype=np.int32)
    for h, (x, y) in enumerate(pts):
        g2h[x, y] = h
        h2g[h, 0] = x
        h2g[h, 1] = y
    return jnp.asarray(g2h), jnp.asarray(h2g)


G2H = []
H2G = []
_pair_sizes = []
for _i in range(NUM_PAIRS):
    _L0, _L1 = int(LEVELS[2 * _i]), int(LEVELS[2 * _i + 1])
    _g2h, _h2g = build_hilbert_lut(_L0, _L1)
    G2H.append(_g2h)
    H2G.append(_h2g)
    _pair_sizes.append(_L0 * _L1)
if HAS_REMAINDER:
    _pair_sizes.append(int(LEVELS[-1]))
_basis = [1]
for _s in _pair_sizes[:-1]:
    _basis.append(_basis[-1] * _s)
PAIR_BASIS = np.array(_basis, dtype=np.int32)
_LEV = jnp.asarray(LEVELS)


def bound(z):
    half_l = (_LEV - 1).astype(jnp.float32) * (1 + EPS) / 2
    offset = jnp.where(_LEV % 2 == 0, 0.5, 0.0).astype(jnp.float32)
    shift = jnp.arctanh(offset / half_l)
    return jnp.tanh(z + shift) * half_l - offset


def quantize(z):
    bounded = bound(z)
    zhat = jnp.round(bounded)
    # round_ste_quant_dropout with drop_quant_p=0 (eval): pure straight-through round
    quantized = bounded + jax.lax.stop_gradient(zhat - bounded)
    half_width = (_LEV // 2).astype(jnp.float32)
    return quantized / half_width


def codes_to_indices(zhat):
    half_width = (_LEV // 2).astype(jnp.float32)
    coords = (zhat * half_width + half_width).astype(jnp.int32)  # trunc, matches torch .long()
    final_index = jnp.zeros(zhat.shape[:-1], dtype=jnp.int32)
    for i in range(NUM_PAIRS):
        x = coords[..., 2 * i]
        y = coords[..., 2 * i + 1]
        pidx = G2H[i][x, y]
        final_index = final_index + pidx * PAIR_BASIS[i]
    if HAS_REMAINDER:
        final_index = final_index + coords[..., -1] * PAIR_BASIS[NUM_PAIRS]
    return final_index.astype(jnp.int32)


def setup_inputs(seed: int = 0):
    key = jax.random.key(seed)
    latents = jax.random.normal(key, (64, 1024, 6), dtype=jnp.float32)
    return {"latents": latents}


def reference(latents):
    # eval-mode forward_z: no quant dropout, no token corruption
    quant = quantize(latents.astype(jnp.float32))
    tokens = codes_to_indices(quant).astype(jnp.int32)
    return (quant, tokens)

if __name__ == "__main__":
    import jax
    _d = setup_inputs()
    print(jax.jit(kernel)(*tuple(_d.values())))

</pallas_src>

<mosaic_0001>
#map = affine_map<(d0, d1) -> (0)>
module attributes {stable_mosaic.version = 14 : i64} {
  func.func @_fsq_body(%arg0: i32, %arg1: i32, %arg2: memref<393216xf32, #tpu.memory_space<hbm>>, %arg3: memref<160xi32, #tpu.memory_space<hbm>>, %arg4: memref<160xf32, #tpu.memory_space<hbm>>, %arg5: memref<160xf32, #tpu.memory_space<hbm>>, %arg6: memref<393216xf32, #tpu.memory_space<hbm>>, %arg7: memref<65536xi32, #tpu.memory_space<hbm>>, %arg8: memref<12288xf32, #tpu.memory_space<vmem>>, %arg9: memref<12288xf32, #tpu.memory_space<vmem>>, %arg10: memref<2048xi32, #tpu.memory_space<vmem>>, %arg11: memref<160xi32, #tpu.memory_space<vmem>>, %arg12: memref<160xf32, #tpu.memory_space<vmem>>, %arg13: memref<160xf32, #tpu.memory_space<vmem>>, %arg14: memref<!tpu.dma_semaphore, #tpu.memory_space<semaphore_mem>>, %arg15: memref<!tpu.dma_semaphore, #tpu.memory_space<semaphore_mem>>, %arg16: memref<!tpu.dma_semaphore, #tpu.memory_space<semaphore_mem>>, %arg17: memref<!tpu.dma_semaphore, #tpu.memory_space<semaphore_mem>>) attributes {dimension_semantics = [#tpu.dimension_semantics<core_parallel>, #tpu.dimension_semantics<subcore_parallel>], iteration_bounds = array<i64: 2, 16>, scalar_prefetch = 0 : i64, scratch_operands = 10 : i64, tpu.core_type = #tpu.core_type<sc_vector_subcore>, window_params = [{transform_indices = #map}, {transform_indices = #map}, {transform_indices = #map}, {transform_indices = #map}, {transform_indices = #map}, {transform_indices = #map}]} {
    %mul3A = arith.constant 2 : i32
    %mul3A_0 = arith.muli %arg1, %mul3A : i32
    %add3A = arith.addi %mul3A_0, %arg0 : i32
    %mul3A_1 = arith.constant 12288 : i32
    %mul3A_2 = arith.muli %add3A, %mul3A_1 : i32
    %mul3A_3 = arith.constant 2048 : i32
    %mul3A_4 = arith.muli %add3A, %mul3A_3 : i32
    %dma_start3A = arith.constant 0 : i32
    %dma_start3A_5 = tpu.memref_slice %arg8[%dma_start3A] : memref<12288xf32, #tpu.memory_space<vmem>> -> memref<6144xf32, #tpu.memory_space<vmem>>
    %dma_start3A_6 = tpu.memref_slice %arg2[%mul3A_2] : memref<393216xf32, #tpu.memory_space<hbm>> -> memref<6144xf32, #tpu.memory_space<hbm>>
    %dma_start3A_7 = arith.constant 0 : i32
    %dma_start3A_8 = tpu.memref_slice %arg8[%dma_start3A_7] : memref<12288xf32, #tpu.memory_space<vmem>> -> memref<6144xf32, #tpu.memory_space<vmem>>
    %dma_start3A_9 = tpu.memref_slice %arg2[%mul3A_2] : memref<393216xf32, #tpu.memory_space<hbm>> -> memref<6144xf32, #tpu.memory_space<hbm>>
    tpu.enqueue_dma source(%dma_start3A_9 : memref<6144xf32, #tpu.memory_space<hbm>>) target(%dma_start3A_8 : memref<6144xf32, #tpu.memory_space<vmem>>) target_semaphore(%arg14 : memref<!tpu.dma_semaphore, #tpu.memory_space<semaphore_mem>>)
    %add3A_10 = arith.constant 6144 : i32
    %add3A_11 = arith.addi %mul3A_2, %add3A_10 : i32
    %dma_start3A_12 = arith.constant 6144 : i32
    %dma_start3A_13 = tpu.memref_slice %arg8[%dma_start3A_12] : memref<12288xf32, #tpu.memory_space<vmem>> -> memref<6144xf32, #tpu.memory_space<vmem>>
    %dma_start3A_14 = tpu.memref_slice %arg2[%add3A_11] : memref<393216xf32, #tpu.memory_space<hbm>> -> memref<6144xf32, #tpu.memory_space<hbm>>
    %dma_start3A_15 = arith.constant 6144 : i32
    %dma_start3A_16 = tpu.memref_slice %arg8[%dma_start3A_15] : memref<12288xf32, #tpu.memory_space<vmem>> -> memref<6144xf32, #tpu.memory_space<vmem>>
    %dma_start3A_17 = tpu.memref_slice %arg2[%add3A_11] : memref<393216xf32, #tpu.memory_space<hbm>> -> memref<6144xf32, #tpu.memory_space<hbm>>
    tpu.enqueue_dma source(%dma_start3A_17 : memref<6144xf32, #tpu.memory_space<hbm>>) target(%dma_start3A_16 : memref<6144xf32, #tpu.memory_space<vmem>>) target_semaphore(%arg15 : memref<!tpu.dma_semaphore, #tpu.memory_space<semaphore_mem>>)
    "tpu.region"() ({
      %run_scoped3A = tpu.sem_alloc : memref<!tpu.dma_semaphore, #tpu.memory_space<semaphore_mem>>
      tpu.enqueue_dma source(%arg3 : memref<160xi32, #tpu.memory_space<hbm>>) target(%arg11 : memref<160xi32, #tpu.memory_space<vmem>>) target_semaphore(%run_scoped3A : memref<!tpu.dma_semaphore, #tpu.memory_space<semaphore_mem>>)
      tpu.wait_dma2 semaphore(%run_scoped3A : memref<!tpu.dma_semaphore, #tpu.memory_space<semaphore_mem>>) src(%arg3 : memref<160xi32, #tpu.memory_space<hbm>>) dst(%arg11 : memref<160xi32, #tpu.memory_space<vmem>>)
      tpu.yield
    }) : () -> ()
    "tpu.region"() ({
      %run_scoped3A = tpu.sem_alloc : memref<!tpu.dma_semaphore, #tpu.memory_space<semaphore_mem>>
      tpu.enqueue_dma source(%arg4 : memref<160xf32, #tpu.memory_space<hbm>>) target(%arg12 : memref<160xf32, #tpu.memory_space<vmem>>) target_semaphore(%run_scoped3A : memref<!tpu.dma_semaphore, #tpu.memory_space<semaphore_mem>>)
      tpu.wait_dma2 semaphore(%run_scoped3A : memref<!tpu.dma_semaphore, #tpu.memory_space<semaphore_mem>>) src(%arg4 : memref<160xf32, #tpu.memory_space<hbm>>) dst(%arg12 : memref<160xf32, #tpu.memory_space<vmem>>)
      tpu.yield
    }) : () -> ()
    "tpu.region"() ({
      %run_scoped3A = tpu.sem_alloc : memref<!tpu.dma_semaphore, #tpu.memory_space<semaphore_mem>>
      tpu.enqueue_dma source(%arg5 : memref<160xf32, #tpu.memory_space<hbm>>) target(%arg13 : memref<160xf32, #tpu.memory_space<vmem>>) target_semaphore(%run_scoped3A : memref<!tpu.dma_semaphore, #tpu.memory_space<semaphore_mem>>)
      tpu.wait_dma2 semaphore(%run_scoped3A : memref<!tpu.dma_semaphore, #tpu.memory_space<semaphore_mem>>) src(%arg5 : memref<160xf32, #tpu.memory_space<hbm>>) dst(%arg13 : memref<160xf32, #tpu.memory_space<vmem>>)
      tpu.yield
    }) : () -> ()
    %iota3A = tpu.iota {dimensions = array<i32: 0>} : vector<16xi32>
    %mul3A_18 = arith.constant 6 : i32
    %mul3A_19 = vector.broadcast %mul3A_18 : i32 to vector<16xi32>
    %mul3A_20 = arith.muli %iota3A, %mul3A_19 : vector<16xi32>
    %dma_wait3A = arith.constant 0 : i32
    %dma_wait3A_21 = tpu.memref_slice %arg8[%dma_wait3A] : memref<12288xf32, #tpu.memory_space<vmem>> -> memref<6144xf32, #tpu.memory_space<vmem>>
    %dma_wait3A_22 = tpu.memref_slice %arg2[%mul3A_2] : memref<393216xf32, #tpu.memory_space<hbm>> -> memref<6144xf32, #tpu.memory_space<hbm>>
    %dma_wait3A_23 = arith.constant 0 : i32
    %dma_wait3A_24 = tpu.memref_slice %arg8[%dma_wait3A_23] : memref<12288xf32, #tpu.memory_space<vmem>> -> memref<6144xf32, #tpu.memory_space<vmem>>
    %dma_wait3A_25 = tpu.memref_slice %arg2[%mul3A_2] : memref<393216xf32, #tpu.memory_space<hbm>> -> memref<6144xf32, #tpu.memory_space<hbm>>
    tpu.wait_dma2 semaphore(%arg14 : memref<!tpu.dma_semaphore, #tpu.memory_space<semaphore_mem>>) src(%dma_wait3A_25 : memref<6144xf32, #tpu.memory_space<hbm>>) dst(%dma_wait3A_24 : memref<6144xf32, #tpu.memory_space<vmem>>)
    %scan3A = arith.constant 0 : i32
    %scan3A_26 = arith.constant 0 : i32
    %scan3A_27 = arith.constant 64 : i32
    %scan3A_28 = arith.addi %scan3A_26, %scan3A_27 : i32
    %scan3A_29 = arith.constant 1 : i32
    scf.for %scan3A_95 = %scan3A_26 to %scan3A_28 step %scan3A_29  : i32 {
      %mul3A_96 = arith.constant 96 : i32
      %mul3A_97 = arith.muli %scan3A_95, %mul3A_96 : i32
      %add3A_98 = vector.broadcast %mul3A_97 : i32 to vector<16xi32>
      %add3A_99 = arith.addi %add3A_98, %mul3A_20 : vector<16xi32>
      %add3A_100 = arith.constant 0 : i32
      %add3A_101 = vector.broadcast %add3A_100 : i32 to vector<16xi32>
      %add3A_102 = arith.addi %add3A_99, %add3A_101 : vector<16xi32>
      %add3A_103 = arith.constant 1 : i32
      %add3A_104 = vector.broadcast %add3A_103 : i32 to vector<16xi32>
      %add3A_105 = arith.addi %add3A_99, %add3A_104 : vector<16xi32>
      %add3A_106 = arith.constant 2 : i32
      %add3A_107 = vector.broadcast %add3A_106 : i32 to vector<16xi32>
      %add3A_108 = arith.addi %add3A_99, %add3A_107 : vector<16xi32>
      %add3A_109 = arith.constant 3 : i32
      %add3A_110 = vector.broadcast %add3A_109 : i32 to vector<16xi32>
      %add3A_111 = arith.addi %add3A_99, %add3A_110 : vector<16xi32>
      %add3A_112 = arith.constant 4 : i32
      %add3A_113 = vector.broadcast %add3A_112 : i32 to vector<16xi32>
      %add3A_114 = arith.addi %add3A_99, %add3A_113 : vector<16xi32>
      %add3A_115 = arith.constant 5 : i32
      %add3A_116 = vector.broadcast %add3A_115 : i32 to vector<16xi32>
      %add3A_117 = arith.addi %add3A_99, %add3A_116 : vector<16xi32>
      %gather3A = tpu.vector_load_idx %arg8[%add3A_102] : memref<12288xf32, #tpu.memory_space<vmem>>[vector<16xi32>], vector<16xf32>,
      %gather3A_118 = tpu.vector_load_idx %arg8[%add3A_105] : memref<12288xf32, #tpu.memory_space<vmem>>[vector<16xi32>], vector<16xf32>,
      %gather3A_119 = tpu.vector_load_idx %arg8[%add3A_108] : memref<12288xf32, #tpu.memory_space<vmem>>[vector<16xi32>], vector<16xf32>,
      %gather3A_120 = tpu.vector_load_idx %arg8[%add3A_111] : memref<12288xf32, #tpu.memory_space<vmem>>[vector<16xi32>], vector<16xf32>,
      %gather3A_121 = tpu.vector_load_idx %arg8[%add3A_114] : memref<12288xf32, #tpu.memory_space<vmem>>[vector<16xi32>], vector<16xf32>,
      %gather3A_122 = tpu.vector_load_idx %arg8[%add3A_117] : memref<12288xf32, #tpu.memory_space<vmem>>[vector<16xi32>], vector<16xf32>,
      %broadcast_in_dim3A = arith.constant 0 : i32
      %broadcast_in_dim3A_123 = vector.broadcast %broadcast_in_dim3A : i32 to vector<16xi32>
      %gt3A = arith.constant -1.42295134 : f32
      %gt3A_124 = vector.broadcast %gt3A : f32 to vector<16xf32>
      %gt3A_125 = arith.cmpf ogt, %gather3A, %gt3A_124 : vector<16xf32>
      %add3A_126 = arith.constant 8 : i32
      %add3A_127 = vector.broadcast %add3A_126 : i32 to vector<16xi32>
      %add3A_128 = arith.addi %broadcast_in_dim3A_123, %add3A_127 : vector<16xi32>
      %select_n3A = arith.select %gt3A_125, %add3A_128, %broadcast_in_dim3A_123 : vector<16xi1>, vector<16xi32>
      %gt3A_129 = arith.constant -0.792489588 : f32
      %gt3A_130 = vector.broadcast %gt3A_129 : f32 to vector<16xf32>
      %gt3A_131 = arith.cmpf ogt, %gather3A, %gt3A_130 : vector<16xf32>
      %add3A_132 = arith.constant 8 : i32
      %add3A_133 = vector.broadcast %add3A_132 : i32 to vector<16xi32>
      %add3A_134 = arith.addi %select_n3A, %add3A_133 : vector<16xi32>
      %select_n3A_135 = arith.select %gt3A_131, %add3A_134, %select_n3A : vector<16xi1>, vector<16xi32>
      %gt3A_136 = arith.constant -0.437277913 : f32
      %gt3A_137 = vector.broadcast %gt3A_136 : f32 to vector<16xf32>
      %gt3A_138 = arith.cmpf ogt, %gather3A, %gt3A_137 : vector<16xf32>
      %add3A_139 = arith.constant 8 : i32
      %add3A_140 = vector.broadcast %add3A_139 : i32 to vector<16xi32>
      %add3A_141 = arith.addi %select_n3A_135, %add3A_140 : vector<16xi32>
      %select_n3A_142 = arith.select %gt3A_138, %add3A_141, %select_n3A_135 : vector<16xi1>, vector<16xi32>
      %gt3A_143 = arith.constant -0.143695354 : f32
      %gt3A_144 = vector.broadcast %gt3A_143 : f32 to vector<16xf32>
      %gt3A_145 = arith.cmpf ogt, %gather3A, %gt3A_144 : vector<16xf32>
      %add3A_146 = arith.constant 8 : i32
      %add3A_147 = vector.broadcast %add3A_146 : i32 to vector<16xi32>
      %add3A_148 = arith.addi %select_n3A_142, %add3A_147 : vector<16xi32>
      %select_n3A_149 = arith.select %gt3A_145, %add3A_148, %select_n3A_142 : vector<16xi1>, vector<16xi32>
      %gt3A_150 = arith.constant 0.149887204 : f32
      %gt3A_151 = vector.broadcast %gt3A_150 : f32 to vector<16xf32>
      %gt3A_152 = arith.cmpf ogt, %gather3A, %gt3A_151 : vector<16xf32>
      %add3A_153 = arith.constant 8 : i32
      %add3A_154 = vector.broadcast %add3A_153 : i32 to vector<16xi32>
      %add3A_155 = arith.addi %select_n3A_149, %add3A_154 : vector<16xi32>
      %select_n3A_156 = arith.select %gt3A_152, %add3A_155, %select_n3A_149 : vector<16xi1>, vector<16xi32>
      %gt3A_157 = arith.constant 0.505098939 : f32
      %gt3A_158 = vector.broadcast %gt3A_157 : f32 to vector<16xf32>
      %gt3A_159 = arith.cmpf ogt, %gather3A, %gt3A_158 : vector<16xf32>
      %add3A_160 = arith.constant 8 : i32
      %add3A_161 = vector.broadcast %add3A_160 : i32 to vector<16xi32>
      %add3A_162 = arith.addi %select_n3A_156, %add3A_161 : vector<16xi32>
      %select_n3A_163 = arith.select %gt3A_159, %add3A_162, %select_n3A_156 : vector<16xi1>, vector<16xi32>
      %gt3A_164 = arith.constant 1.13556063 : f32
      %gt3A_165 = vector.broadcast %gt3A_164 : f32 to vector<16xf32>
      %gt3A_166 = arith.cmpf ogt, %gather3A, %gt3A_165 : vector<16xf32>
      %add3A_167 = arith.constant 8 : i32
      %add3A_168 = vector.broadcast %add3A_167 : i32 to vector<16xi32>
      %add3A_169 = arith.addi %select_n3A_163, %add3A_168 : vector<16xi32>
      %select_n3A_170 = arith.select %gt3A_166, %add3A_169, %select_n3A_163 : vector<16xi1>, vector<16xi32>
      %gt3A_171 = arith.constant -1.42295134 : f32
      %gt3A_172 = vector.broadcast %gt3A_171 : f32 to vector<16xf32>
      %gt3A_173 = arith.cmpf ogt, %gather3A_118, %gt3A_172 : vector<16xf32>
      %add3A_174 = arith.constant 1 : i32
      %add3A_175 = vector.broadcast %add3A_174 : i32 to vector<16xi32>
      %add3A_176 = arith.addi %select_n3A_170, %add3A_175 : vector<16xi32>
      %select_n3A_177 = arith.select %gt3A_173, %add3A_176, %select_n3A_170 : vector<16xi1>, vector<16xi32>
      %gt3A_178 = arith.constant -0.792489588 : f32
      %gt3A_179 = vector.broadcast %gt3A_178 : f32 to vector<16xf32>
      %gt3A_180 = arith.cmpf ogt, %gather3A_118, %gt3A_179 : vector<16xf32>
      %add3A_181 = arith.constant 1 : i32
      %add3A_182 = vector.broadcast %add3A_181 : i32 to vector<16xi32>
      %add3A_183 = arith.addi %select_n3A_177, %add3A_182 : vector<16xi32>
      %select_n3A_184 = arith.select %gt3A_180, %add3A_183, %select_n3A_177 : vector<16xi1>, vector<16xi32>
      %gt3A_185 = arith.constant -0.437277913 : f32
      %gt3A_186 = vector.broadcast %gt3A_185 : f32 to vector<16xf32>
      %gt3A_187 = arith.cmpf ogt, %gather3A_118, %gt3A_186 : vector<16xf32>
      %add3A_188 = arith.constant 1 : i32
      %add3A_189 = vector.broadcast %add3A_188 : i32 to vector<16xi32>
      %add3A_190 = arith.addi %select_n3A_184, %add3A_189 : vector<16xi32>
      %select_n3A_191 = arith.select %gt3A_187, %add3A_190, %select_n3A_184 : vector<16xi1>, vector<16xi32>
      %gt3A_192 = arith.constant -0.143695354 : f32
      %gt3A_193 = vector.broadcast %gt3A_192 : f32 to vector<16xf32>
      %gt3A_194 = arith.cmpf ogt, %gather3A_118, %gt3A_193 : vector<16xf32>
      %add3A_195 = arith.constant 1 : i32
      %add3A_196 = vector.broadcast %add3A_195 : i32 to vector<16xi32>
      %add3A_197 = arith.addi %select_n3A_191, %add3A_196 : vector<16xi32>
      %select_n3A_198 = arith.select %gt3A_194, %add3A_197, %select_n3A_191 : vector<16xi1>, vector<16xi32>
      %gt3A_199 = arith.constant 0.149887204 : f32
      %gt3A_200 = vector.broadcast %gt3A_199 : f32 to vector<16xf32>
      %gt3A_201 = arith.cmpf ogt, %gather3A_118, %gt3A_200 : vector<16xf32>
      %add3A_202 = arith.constant 1 : i32
      %add3A_203 = vector.broadcast %add3A_202 : i32 to vector<16xi32>
      %add3A_204 = arith.addi %select_n3A_198, %add3A_203 : vector<16xi32>
      %select_n3A_205 = arith.select %gt3A_201, %add3A_204, %select_n3A_198 : vector<16xi1>, vector<16xi32>
      %gt3A_206 = arith.constant 0.505098939 : f32
      %gt3A_207 = vector.broadcast %gt3A_206 : f32 to vector<16xf32>
      %gt3A_208 = arith.cmpf ogt, %gather3A_118, %gt3A_207 : vector<16xf32>
      %add3A_209 = arith.constant 1 : i32
      %add3A_210 = vector.broadcast %add3A_209 : i32 to vector<16xi32>
      %add3A_211 = arith.addi %select_n3A_205, %add3A_210 : vector<16xi32>
      %select_n3A_212 = arith.select %gt3A_208, %add3A_211, %select_n3A_205 : vector<16xi1>, vector<16xi32>
      %gt3A_213 = arith.constant 1.13556063 : f32
      %gt3A_214 = vector.broadcast %gt3A_213 : f32 to vector<16xf32>
      %gt3A_215 = arith.cmpf ogt, %gather3A_118, %gt3A_214 : vector<16xf32>
      %add3A_216 = arith.constant 1 : i32
      %add3A_217 = vector.broadcast %add3A_216 : i32 to vector<16xi32>
      %add3A_218 = arith.addi %select_n3A_212, %add3A_217 : vector<16xi32>
      %select_n3A_219 = arith.select %gt3A_215, %add3A_218, %select_n3A_212 : vector<16xi1>, vector<16xi32>
      %gather3A_220 = tpu.vector_load_idx %arg12[%select_n3A_219] : memref<160xf32, #tpu.memory_space<vmem>>[vector<16xi32>], vector<16xf32>,
      tpu.vector_store_idx %arg9[%add3A_102], %gather3A_220 : memref<12288xf32, #tpu.memory_space<vmem>>[vector<16xi32>], vector<16xf32>,
      %gather3A_221 = tpu.vector_load_idx %arg13[%select_n3A_219] : memref<160xf32, #tpu.memory_space<vmem>>[vector<16xi32>], vector<16xf32>,
      tpu.vector_store_idx %arg9[%add3A_105], %gather3A_221 : memref<12288xf32, #tpu.memory_space<vmem>>[vector<16xi32>], vector<16xf32>,
      %broadcast_in_dim3A_222 = arith.constant 64 : i32
      %broadcast_in_dim3A_223 = vector.broadcast %broadcast_in_dim3A_222 : i32 to vector<16xi32>
      %gt3A_224 = arith.constant -1.42295134 : f32
      %gt3A_225 = vector.broadcast %gt3A_224 : f32 to vector<16xf32>
      %gt3A_226 = arith.cmpf ogt, %gather3A_119, %gt3A_225 : vector<16xf32>
      %add3A_227 = arith.constant 8 : i32
      %add3A_228 = vector.broadcast %add3A_227 : i32 to vector<16xi32>
      %add3A_229 = arith.addi %broadcast_in_dim3A_223, %add3A_228 : vector<16xi32>
      %select_n3A_230 = arith.select %gt3A_226, %add3A_229, %broadcast_in_dim3A_223 : vector<16xi1>, vector<16xi32>
      %gt3A_231 = arith.constant -0.792489588 : f32
      %gt3A_232 = vector.broadcast %gt3A_231 : f32 to vector<16xf32>
      %gt3A_233 = arith.cmpf ogt, %gather3A_119, %gt3A_232 : vector<16xf32>
      %add3A_234 = arith.constant 8 : i32
      %add3A_235 = vector.broadcast %add3A_234 : i32 to vector<16xi32>
      %add3A_236 = arith.addi %select_n3A_230, %add3A_235 : vector<16xi32>
      %select_n3A_237 = arith.select %gt3A_233, %add3A_236, %select_n3A_230 : vector<16xi1>, vector<16xi32>
      %gt3A_238 = arith.constant -0.437277913 : f32
      %gt3A_239 = vector.broadcast %gt3A_238 : f32 to vector<16xf32>
      %gt3A_240 = arith.cmpf ogt, %gather3A_119, %gt3A_239 : vector<16xf32>
      %add3A_241 = arith.constant 8 : i32
      %add3A_242 = vector.broadcast %add3A_241 : i32 to vector<16xi32>
      %add3A_243 = arith.addi %select_n3A_237, %add3A_242 : vector<16xi32>
      %select_n3A_244 = arith.select %gt3A_240, %add3A_243, %select_n3A_237 : vector<16xi1>, vector<16xi32>
      %gt3A_245 = arith.constant -0.143695354 : f32
      %gt3A_246 = vector.broadcast %gt3A_245 : f32 to vector<16xf32>
      %gt3A_247 = arith.cmpf ogt, %gather3A_119, %gt3A_246 : vector<16xf32>
      %add3A_248 = arith.constant 8 : i32
      %add3A_249 = vector.broadcast %add3A_248 : i32 to vector<16xi32>
      %add3A_250 = arith.addi %select_n3A_244, %add3A_249 : vector<16xi32>
      %select_n3A_251 = arith.select %gt3A_247, %add3A_250, %select_n3A_244 : vector<16xi1>, vector<16xi32>
      %gt3A_252 = arith.constant 0.149887204 : f32
      %gt3A_253 = vector.broadcast %gt3A_252 : f32 to vector<16xf32>
      %gt3A_254 = arith.cmpf ogt, %gather3A_119, %gt3A_253 : vector<16xf32>
      %add3A_255 = arith.constant 8 : i32
      %add3A_256 = vector.broadcast %add3A_255 : i32 to vector<16xi32>
      %add3A_257 = arith.addi %select_n3A_251, %add3A_256 : vector<16xi32>
      %select_n3A_258 = arith.select %gt3A_254, %add3A_257, %select_n3A_251 : vector<16xi1>, vector<16xi32>
      %gt3A_259 = arith.constant 0.505098939 : f32
      %gt3A_260 = vector.broadcast %gt3A_259 : f32 to vector<16xf32>
      %gt3A_261 = arith.cmpf ogt, %gather3A_119, %gt3A_260 : vector<16xf32>
      %add3A_262 = arith.constant 8 : i32
      %add3A_263 = vector.broadcast %add3A_262 : i32 to vector<16xi32>
      %add3A_264 = arith.addi %select_n3A_258, %add3A_263 : vector<16xi32>
      %select_n3A_265 = arith.select %gt3A_261, %add3A_264, %select_n3A_258 : vector<16xi1>, vector<16xi32>
      %gt3A_266 = arith.constant 1.13556063 : f32
      %gt3A_267 = vector.broadcast %gt3A_266 : f32 to vector<16xf32>
      %gt3A_268 = arith.cmpf ogt, %gather3A_119, %gt3A_267 : vector<16xf32>
      %add3A_269 = arith.constant 8 : i32
      %add3A_270 = vector.broadcast %add3A_269 : i32 to vector<16xi32>
      %add3A_271 = arith.addi %select_n3A_265, %add3A_270 : vector<16xi32>
      %select_n3A_272 = arith.select %gt3A_268, %add3A_271, %select_n3A_265 : vector<16xi1>, vector<16xi32>
      %gt3A_273 = arith.constant -1.42295134 : f32
      %gt3A_274 = vector.broadcast %gt3A_273 : f32 to vector<16xf32>
      %gt3A_275 = arith.cmpf ogt, %gather3A_120, %gt3A_274 : vector<16xf32>
      %add3A_276 = arith.constant 1 : i32
      %add3A_277 = vector.broadcast %add3A_276 : i32 to vector<16xi32>
      %add3A_278 = arith.addi %select_n3A_272, %add3A_277 : vector<16xi32>
      %select_n3A_279 = arith.select %gt3A_275, %add3A_278, %select_n3A_272 : vector<16xi1>, vector<16xi32>
      %gt3A_280 = arith.constant -0.792489588 : f32
      %gt3A_281 = vector.broadcast %gt3A_280 : f32 to vector<16xf32>
      %gt3A_282 = arith.cmpf ogt, %gather3A_120, %gt3A_281 : vector<16xf32>
      %add3A_283 = arith.constant 1 : i32
      %add3A_284 = vector.broadcast %add3A_283 : i32 to vector<16xi32>
      %add3A_285 = arith.addi %select_n3A_279, %add3A_284 : vector<16xi32>
      %select_n3A_286 = arith.select %gt3A_282, %add3A_285, %select_n3A_279 : vector<16xi1>, vector<16xi32>
      %gt3A_287 = arith.constant -0.437277913 : f32
      %gt3A_288 = vector.broadcast %gt3A_287 : f32 to vector<16xf32>
      %gt3A_289 = arith.cmpf ogt, %gather3A_120, %gt3A_288 : vector<16xf32>
      %add3A_290 = arith.constant 1 : i32
      %add3A_291 = vector.broadcast %add3A_290 : i32 to vector<16xi32>
      %add3A_292 = arith.addi %select_n3A_286, %add3A_291 : vector<16xi32>
      %select_n3A_293 = arith.select %gt3A_289, %add3A_292, %select_n3A_286 : vector<16xi1>, vector<16xi32>
      %gt3A_294 = arith.constant -0.143695354 : f32
      %gt3A_295 = vector.broadcast %gt3A_294 : f32 to vector<16xf32>
      %gt3A_296 = arith.cmpf ogt, %gather3A_120, %gt3A_295 : vector<16xf32>
      %add3A_297 = arith.constant 1 : i32
      %add3A_298 = vector.broadcast %add3A_297 : i32 to vector<16xi32>
      %add3A_299 = arith.addi %select_n3A_293, %add3A_298 : vector<16xi32>
      %select_n3A_300 = arith.select %gt3A_296, %add3A_299, %select_n3A_293 : vector<16xi1>, vector<16xi32>
      %gt3A_301 = arith.constant 0.149887204 : f32
      %gt3A_302 = vector.broadcast %gt3A_301 : f32 to vector<16xf32>
      %gt3A_303 = arith.cmpf ogt, %gather3A_120, %gt3A_302 : vector<16xf32>
      %add3A_304 = arith.constant 1 : i32
      %add3A_305 = vector.broadcast %add3A_304 : i32 to vector<16xi32>
      %add3A_306 = arith.addi %select_n3A_300, %add3A_305 : vector<16xi32>
      %select_n3A_307 = arith.select %gt3A_303, %add3A_306, %select_n3A_300 : vector<16xi1>, vector<16xi32>
      %gt3A_308 = arith.constant 0.505098939 : f32
      %gt3A_309 = vector.broadcast %gt3A_308 : f32 to vector<16xf32>
      %gt3A_310 = arith.cmpf ogt, %gather3A_120, %gt3A_309 : vector<16xf32>
      %add3A_311 = arith.constant 1 : i32
      %add3A_312 = vector.broadcast %add3A_311 : i32 to vector<16xi32>
      %add3A_313 = arith.addi %select_n3A_307, %add3A_312 : vector<16xi32>
      %select_n3A_314 = arith.select %gt3A_310, %add3A_313, %select_n3A_307 : vector<16xi1>, vector<16xi32>
      %gt3A_315 = arith.constant 1.13556063 : f32
      %gt3A_316 = vector.broadcast %gt3A_315 : f32 to vector<16xf32>
      %gt3A_317 = arith.cmpf ogt, %gather3A_120, %gt3A_316 : vector<16xf32>
      %add3A_318 = arith.constant 1 : i32
      %add3A_319 = vector.broadcast %add3A_318 : i32 to vector<16xi32>
      %add3A_320 = arith.addi %select_n3A_314, %add3A_319 : vector<16xi32>
      %select_n3A_321 = arith.select %gt3A_317, %add3A_320, %select_n3A_314 : vector<16xi1>, vector<16xi32>
      %gather3A_322 = tpu.vector_load_idx %arg12[%select_n3A_321] : memref<160xf32, #tpu.memory_space<vmem>>[vector<16xi32>], vector<16xf32>,
      tpu.vector_store_idx %arg9[%add3A_108], %gather3A_322 : memref<12288xf32, #tpu.memory_space<vmem>>[vector<16xi32>], vector<16xf32>,
      %gather3A_323 = tpu.vector_load_idx %arg13[%select_n3A_321] : memref<160xf32, #tpu.memory_space<vmem>>[vector<16xi32>], vector<16xf32>,
      tpu.vector_store_idx %arg9[%add3A_111], %gather3A_323 : memref<12288xf32, #tpu.memory_space<vmem>>[vector<16xi32>], vector<16xf32>,
      %broadcast_in_dim3A_324 = arith.constant 128 : i32
      %broadcast_in_dim3A_325 = vector.broadcast %broadcast_in_dim3A_324 : i32 to vector<16xi32>
      %gt3A_326 = arith.constant -1.29892063 : f32
      %gt3A_327 = vector.broadcast %gt3A_326 : f32 to vector<16xf32>
      %gt3A_328 = arith.cmpf ogt, %gather3A_121, %gt3A_327 : vector<16xf32>
      %add3A_329 = arith.constant 5 : i32
      %add3A_330 = vector.broadcast %add3A_329 : i32 to vector<16xi32>
      %add3A_331 = arith.addi %broadcast_in_dim3A_325, %add3A_330 : vector<16xi32>
      %select_n3A_332 = arith.select %gt3A_328, %add3A_331, %broadcast_in_dim3A_325 : vector<16xi1>, vector<16xi32>
      %gt3A_333 = arith.constant -0.625697732 : f32
      %gt3A_334 = vector.broadcast %gt3A_333 : f32 to vector<16xf32>
      %gt3A_335 = arith.cmpf ogt, %gather3A_121, %gt3A_334 : vector<16xf32>
      %add3A_336 = arith.constant 5 : i32
      %add3A_337 = vector.broadcast %add3A_336 : i32 to vector<16xi32>
      %add3A_338 = arith.addi %select_n3A_332, %add3A_337 : vector<16xi32>
      %select_n3A_339 = arith.select %gt3A_335, %add3A_338, %select_n3A_332 : vector<16xi1>, vector<16xi32>
      %gt3A_340 = arith.constant -0.202524439 : f32
      %gt3A_341 = vector.broadcast %gt3A_340 : f32 to vector<16xf32>
      %gt3A_342 = arith.cmpf ogt, %gather3A_121, %gt3A_341 : vector<16xf32>
      %add3A_343 = arith.constant 5 : i32
      %add3A_344 = vector.broadcast %add3A_343 : i32 to vector<16xi32>
      %add3A_345 = arith.addi %select_n3A_339, %add3A_344 : vector<16xi32>
      %select_n3A_346 = arith.select %gt3A_342, %add3A_345, %select_n3A_339 : vector<16xi1>, vector<16xi32>
      %gt3A_347 = arith.constant 0.22064887 : f32
      %gt3A_348 = vector.broadcast %gt3A_347 : f32 to vector<16xf32>
      %gt3A_349 = arith.cmpf ogt, %gather3A_121, %gt3A_348 : vector<16xf32>
      %add3A_350 = arith.constant 5 : i32
      %add3A_351 = vector.broadcast %add3A_350 : i32 to vector<16xi32>
      %add3A_352 = arith.addi %select_n3A_346, %add3A_351 : vector<16xi32>
      %select_n3A_353 = arith.select %gt3A_349, %add3A_352, %select_n3A_346 : vector<16xi1>, vector<16xi32>
      %gt3A_354 = arith.constant 0.893871784 : f32
      %gt3A_355 = vector.broadcast %gt3A_354 : f32 to vector<16xf32>
      %gt3A_356 = arith.cmpf ogt, %gather3A_121, %gt3A_355 : vector<16xf32>
      %add3A_357 = arith.constant 5 : i32
      %add3A_358 = vector.broadcast %add3A_357 : i32 to vector<16xi32>
      %add3A_359 = arith.addi %select_n3A_353, %add3A_358 : vector<16xi32>
      %select_n3A_360 = arith.select %gt3A_356, %add3A_359, %select_n3A_353 : vector<16xi1>, vector<16xi32>
      %gt3A_361 = arith.constant -0.971244692 : f32
      %gt3A_362 = vector.broadcast %gt3A_361 : f32 to vector<16xf32>
      %gt3A_363 = arith.cmpf ogt, %gather3A_122, %gt3A_362 : vector<16xf32>
      %add3A_364 = arith.constant 1 : i32
      %add3A_365 = vector.broadcast %add3A_364 : i32 to vector<16xi32>
      %add3A_366 = arith.addi %select_n3A_360, %add3A_365 : vector<16xi32>
      %select_n3A_367 = arith.select %gt3A_363, %add3A_366, %select_n3A_360 : vector<16xi1>, vector<16xi32>
      %gt3A_368 = arith.constant -0.255146444 : f32
      %gt3A_369 = vector.broadcast %gt3A_368 : f32 to vector<16xf32>
      %gt3A_370 = arith.cmpf ogt, %gather3A_122, %gt3A_369 : vector<16xf32>
      %add3A_371 = arith.constant 1 : i32
      %add3A_372 = vector.broadcast %add3A_371 : i32 to vector<16xi32>
      %add3A_373 = arith.addi %select_n3A_367, %add3A_372 : vector<16xi32>
      %select_n3A_374 = arith.select %gt3A_370, %add3A_373, %select_n3A_367 : vector<16xi1>, vector<16xi32>
      %gt3A_375 = arith.constant 0.255146444 : f32
      %gt3A_376 = vector.broadcast %gt3A_375 : f32 to vector<16xf32>
      %gt3A_377 = arith.cmpf ogt, %gather3A_122, %gt3A_376 : vector<16xf32>
      %add3A_378 = arith.constant 1 : i32
      %add3A_379 = vector.broadcast %add3A_378 : i32 to vector<16xi32>
      %add3A_380 = arith.addi %select_n3A_374, %add3A_379 : vector<16xi32>
      %select_n3A_381 = arith.select %gt3A_377, %add3A_380, %select_n3A_374 : vector<16xi1>, vector<16xi32>
      %gt3A_382 = arith.constant 0.971244692 : f32
      %gt3A_383 = vector.broadcast %gt3A_382 : f32 to vector<16xf32>
      %gt3A_384 = arith.cmpf ogt, %gather3A_122, %gt3A_383 : vector<16xf32>
      %add3A_385 = arith.constant 1 : i32
      %add3A_386 = vector.broadcast %add3A_385 : i32 to vector<16xi32>
      %add3A_387 = arith.addi %select_n3A_381, %add3A_386 : vector<16xi32>
      %select_n3A_388 = arith.select %gt3A_384, %add3A_387, %select_n3A_381 : vector<16xi1>, vector<16xi32>
      %gather3A_389 = tpu.vector_load_idx %arg12[%select_n3A_388] : memref<160xf32, #tpu.memory_space<vmem>>[vector<16xi32>], vector<16xf32>,
      tpu.vector_store_idx %arg9[%add3A_114], %gather3A_389 : memref<12288xf32, #tpu.memory_space<vmem>>[vector<16xi32>], vector<16xf32>,
      %gather3A_390 = tpu.vector_load_idx %arg13[%select_n3A_388] : memref<160xf32, #tpu.memory_space<vmem>>[vector<16xi32>], vector<16xf32>,
      tpu.vector_store_idx %arg9[%add3A_117], %gather3A_390 : memref<12288xf32, #tpu.memory_space<vmem>>[vector<16xi32>], vector<16xf32>,
      %gather3A_391 = tpu.vector_load_idx %arg11[%select_n3A_219] : memref<160xi32, #tpu.memory_space<vmem>>[vector<16xi32>], vector<16xi32>,
      %gather3A_392 = tpu.vector_load_idx %arg11[%select_n3A_321] : memref<160xi32, #tpu.memory_space<vmem>>[vector<16xi32>], vector<16xi32>,
      %add3A_393 = arith.addi %gather3A_391, %gather3A_392 : vector<16xi32>
      %gather3A_394 = tpu.vector_load_idx %arg11[%select_n3A_388] : memref<160xi32, #tpu.memory_space<vmem>>[vector<16xi32>], vector<16xi32>,
      %add3A_395 = arith.addi %add3A_393, %gather3A_394 : vector<16xi32>
      %mul3A_396 = arith.constant 16 : i32
      %mul3A_397 = arith.muli %scan3A_95, %mul3A_396 : i32
      %swap3A = arith.index_cast %mul3A_397 : i32 to index
      %swap3A_398 = tpu.vector_load %arg10[%swap3A] {strides = array<i32>} : memref<2048xi32, #tpu.memory_space<vmem>>, vector<16xi32>,
      tpu.vector_store %arg10[%swap3A], %add3A_395 {strides = array<i32>} : memref<2048xi32, #tpu.memory_space<vmem>>, vector<16xi32>,
    }
    %scan3A_30 = arith.constant 64 : i32
    %dma_start3A_31 = arith.constant 0 : i32
    %dma_start3A_32 = tpu.memref_slice %arg9[%dma_start3A_31] : memref<12288xf32, #tpu.memory_space<vmem>> -> memref<6144xf32, #tpu.memory_space<vmem>>
    %dma_start3A_33 = tpu.memref_slice %arg6[%mul3A_2] : memref<393216xf32, #tpu.memory_space<hbm>> -> memref<6144xf32, #tpu.memory_space<hbm>>
    %dma_start3A_34 = tpu.memref_slice %arg6[%mul3A_2] : memref<393216xf32, #tpu.memory_space<hbm>> -> memref<6144xf32, #tpu.memory_space<hbm>>
    %dma_start3A_35 = arith.constant 0 : i32
    %dma_start3A_36 = tpu.memref_slice %arg9[%dma_start3A_35] : memref<12288xf32, #tpu.memory_space<vmem>> -> memref<6144xf32, #tpu.memory_space<vmem>>
    tpu.enqueue_dma source(%dma_start3A_36 : memref<6144xf32, #tpu.memory_space<vmem>>) target(%dma_start3A_34 : memref<6144xf32, #tpu.memory_space<hbm>>) target_semaphore(%arg16 : memref<!tpu.dma_semaphore, #tpu.memory_space<semaphore_mem>>)
    %dma_start3A_37 = arith.constant 0 : i32
    %dma_start3A_38 = tpu.memref_slice %arg10[%dma_start3A_37] : memref<2048xi32, #tpu.memory_space<vmem>> -> memref<1024xi32, #tpu.memory_space<vmem>>
    %dma_start3A_39 = tpu.memref_slice %arg7[%mul3A_4] : memref<65536xi32, #tpu.memory_space<hbm>> -> memref<1024xi32, #tpu.memory_space<hbm>>
    %dma_start3A_40 = tpu.memref_slice %arg7[%mul3A_4] : memref<65536xi32, #tpu.memory_space<hbm>> -> memref<1024xi32, #tpu.memory_space<hbm>>
    %dma_start3A_41 = arith.constant 0 : i32
    %dma_start3A_42 = tpu.memref_slice %arg10[%dma_start3A_41] : memref<2048xi32, #tpu.memory_space<vmem>> -> memref<1024xi32, #tpu.memory_space<vmem>>
    tpu.enqueue_dma source(%dma_start3A_42 : memref<1024xi32, #tpu.memory_space<vmem>>) target(%dma_start3A_40 : memref<1024xi32, #tpu.memory_space<hbm>>) target_semaphore(%arg17 : memref<!tpu.dma_semaphore, #tpu.memory_space<semaphore_mem>>)
    %dma_wait3A_43 = arith.constant 6144 : i32
    %dma_wait3A_44 = tpu.memref_slice %arg8[%dma_wait3A_43] : memref<12288xf32, #tpu.memory_space<vmem>> -> memref<6144xf32, #tpu.memory_space<vmem>>
    %dma_wait3A_45 = tpu.memref_slice %arg2[%add3A_11] : memref<393216xf32, #tpu.memory_space<hbm>> -> memref<6144xf32, #tpu.memory_space<hbm>>
    %dma_wait3A_46 = arith.constant 6144 : i32
    %dma_wait3A_47 = tpu.memref_slice %arg8[%dma_wait3A_46] : memref<12288xf32, #tpu.memory_space<vmem>> -> memref<6144xf32, #tpu.memory_space<vmem>>
    %dma_wait3A_48 = tpu.memref_slice %arg2[%add3A_11] : memref<393216xf32, #tpu.memory_space<hbm>> -> memref<6144xf32, #tpu.memory_space<hbm>>
    tpu.wait_dma2 semaphore(%arg15 : memref<!tpu.dma_semaphore, #tpu.memory_space<semaphore_mem>>) src(%dma_wait3A_48 : memref<6144xf32, #tpu.memory_space<hbm>>) dst(%dma_wait3A_47 : memref<6144xf32, #tpu.memory_space<vmem>>)
    %scan3A_49 = arith.constant 0 : i32
    %scan3A_50 = arith.constant 64 : i32
    %scan3A_51 = arith.constant 64 : i32
    %scan3A_52 = arith.addi %scan3A_50, %scan3A_51 : i32
    %scan3A_53 = arith.constant 1 : i32
    scf.for %scan3A_95 = %scan3A_50 to %scan3A_52 step %scan3A_53  : i32 {
      %mul3A_96 = arith.constant 96 : i32
      %mul3A_97 = arith.muli %scan3A_95, %mul3A_96 : i32
      %add3A_98 = vector.broadcast %mul3A_97 : i32 to vector<16xi32>
      %add3A_99 = arith.addi %add3A_98, %mul3A_20 : vector<16xi32>
      %add3A_100 = arith.constant 0 : i32
      %add3A_101 = vector.broadcast %add3A_100 : i32 to vector<16xi32>
      %add3A_102 = arith.addi %add3A_99, %add3A_101 : vector<16xi32>
      %add3A_103 = arith.constant 1 : i32
      %add3A_104 = vector.broadcast %add3A_103 : i32 to vector<16xi32>
      %add3A_105 = arith.addi %add3A_99, %add3A_104 : vector<16xi32>
      %add3A_106 = arith.constant 2 : i32
      %add3A_107 = vector.broadcast %add3A_106 : i32 to vector<16xi32>
      %add3A_108 = arith.addi %add3A_99, %add3A_107 : vector<16xi32>
      %add3A_109 = arith.constant 3 : i32
      %add3A_110 = vector.broadcast %add3A_109 : i32 to vector<16xi32>
      %add3A_111 = arith.addi %add3A_99, %add3A_110 : vector<16xi32>
      %add3A_112 = arith.constant 4 : i32
      %add3A_113 = vector.broadcast %add3A_112 : i32 to vector<16xi32>
      %add3A_114 = arith.addi %add3A_99, %add3A_113 : vector<16xi32>
      %add3A_115 = arith.constant 5 : i32
      %add3A_116 = vector.broadcast %add3A_115 : i32 to vector<16xi32>
      %add3A_117 = arith.addi %add3A_99, %add3A_116 : vector<16xi32>
      %gather3A = tpu.vector_load_idx %arg8[%add3A_102] : memref<12288xf32, #tpu.memory_space<vmem>>[vector<16xi32>], vector<16xf32>,
      %gather3A_118 = tpu.vector_load_idx %arg8[%add3A_105] : memref<12288xf32, #tpu.memory_space<vmem>>[vector<16xi32>], vector<16xf32>,
      %gather3A_119 = tpu.vector_load_idx %arg8[%add3A_108] : memref<12288xf32, #tpu.memory_space<vmem>>[vector<16xi32>], vector<16xf32>,
      %gather3A_120 = tpu.vector_load_idx %arg8[%add3A_111] : memref<12288xf32, #tpu.memory_space<vmem>>[vector<16xi32>], vector<16xf32>,
      %gather3A_121 = tpu.vector_load_idx %arg8[%add3A_114] : memref<12288xf32, #tpu.memory_space<vmem>>[vector<16xi32>], vector<16xf32>,
      %gather3A_122 = tpu.vector_load_idx %arg8[%add3A_117] : memref<12288xf32, #tpu.memory_space<vmem>>[vector<16xi32>], vector<16xf32>,
      %broadcast_in_dim3A = arith.constant 0 : i32
      %broadcast_in_dim3A_123 = vector.broadcast %broadcast_in_dim3A : i32 to vector<16xi32>
      %gt3A = arith.constant -1.42295134 : f32
      %gt3A_124 = vector.broadcast %gt3A : f32 to vector<16xf32>
      %gt3A_125 = arith.cmpf ogt, %gather3A, %gt3A_124 : vector<16xf32>
      %add3A_126 = arith.constant 8 : i32
      %add3A_127 = vector.broadcast %add3A_126 : i32 to vector<16xi32>
      %add3A_128 = arith.addi %broadcast_in_dim3A_123, %add3A_127 : vector<16xi32>
      %select_n3A = arith.select %gt3A_125, %add3A_128, %broadcast_in_dim3A_123 : vector<16xi1>, vector<16xi32>
      %gt3A_129 = arith.constant -0.792489588 : f32
      %gt3A_130 = vector.broadcast %gt3A_129 : f32 to vector<16xf32>
      %gt3A_131 = arith.cmpf ogt, %gather3A, %gt3A_130 : vector<16xf32>
      %add3A_132 = arith.constant 8 : i32
      %add3A_133 = vector.broadcast %add3A_132 : i32 to vector<16xi32>
      %add3A_134 = arith.addi %select_n3A, %add3A_133 : vector<16xi32>
      %select_n3A_135 = arith.select %gt3A_131, %add3A_134, %select_n3A : vector<16xi1>, vector<16xi32>
      %gt3A_136 = arith.constant -0.437277913 : f32
      %gt3A_137 = vector.broadcast %gt3A_136 : f32 to vector<16xf32>
      %gt3A_138 = arith.cmpf ogt, %gather3A, %gt3A_137 : vector<16xf32>
      %add3A_139 = arith.constant 8 : i32
      %add3A_140 = vector.broadcast %add3A_139 : i32 to vector<16xi32>
      %add3A_141 = arith.addi %select_n3A_135, %add3A_140 : vector<16xi32>
      %select_n3A_142 = arith.select %gt3A_138, %add3A_141, %select_n3A_135 : vector<16xi1>, vector<16xi32>
      %gt3A_143 = arith.constant -0.143695354 : f32
      %gt3A_144 = vector.broadcast %gt3A_143 : f32 to vector<16xf32>
      %gt3A_145 = arith.cmpf ogt, %gather3A, %gt3A_144 : vector<16xf32>
      %add3A_146 = arith.constant 8 : i32
      %add3A_147 = vector.broadcast %add3A_146 : i32 to vector<16xi32>
      %add3A_148 = arith.addi %select_n3A_142, %add3A_147 : vector<16xi32>
      %select_n3A_149 = arith.select %gt3A_145, %add3A_148, %select_n3A_142 : vector<16xi1>, vector<16xi32>
      %gt3A_150 = arith.constant 0.149887204 : f32
      %gt3A_151 = vector.broadcast %gt3A_150 : f32 to vector<16xf32>
      %gt3A_152 = arith.cmpf ogt, %gather3A, %gt3A_151 : vector<16xf32>
      %add3A_153 = arith.constant 8 : i32
      %add3A_154 = vector.broadcast %add3A_153 : i32 to vector<16xi32>
      %add3A_155 = arith.addi %select_n3A_149, %add3A_154 : vector<16xi32>
      %select_n3A_156 = arith.select %gt3A_152, %add3A_155, %select_n3A_149 : vector<16xi1>, vector<16xi32>
      %gt3A_157 = arith.constant 0.505098939 : f32
      %gt3A_158 = vector.broadcast %gt3A_157 : f32 to vector<16xf32>
      %gt3A_159 = arith.cmpf ogt, %gather3A, %gt3A_158 : vector<16xf32>
      %add3A_160 = arith.constant 8 : i32
      %add3A_161 = vector.broadcast %add3A_160 : i32 to vector<16xi32>
      %add3A_162 = arith.addi %select_n3A_156, %add3A_161 : vector<16xi32>
      %select_n3A_163 = arith.select %gt3A_159, %add3A_162, %select_n3A_156 : vector<16xi1>, vector<16xi32>
      %gt3A_164 = arith.constant 1.13556063 : f32
      %gt3A_165 = vector.broadcast %gt3A_164 : f32 to vector<16xf32>
      %gt3A_166 = arith.cmpf ogt, %gather3A, %gt3A_165 : vector<16xf32>
      %add3A_167 = arith.constant 8 : i32
      %add3A_168 = vector.broadcast %add3A_167 : i32 to vector<16xi32>
      %add3A_169 = arith.addi %select_n3A_163, %add3A_168 : vector<16xi32>
      %select_n3A_170 = arith.select %gt3A_166, %add3A_169, %select_n3A_163 : vector<16xi1>, vector<16xi32>
      %gt3A_171 = arith.constant -1.42295134 : f32
      %gt3A_172 = vector.broadcast %gt3A_171 : f32 to vector<16xf32>
      %gt3A_173 = arith.cmpf ogt, %gather3A_118, %gt3A_172 : vector<16xf32>
      %add3A_174 = arith.constant 1 : i32
      %add3A_175 = vector.broadcast %add3A_174 : i32 to vector<16xi32>
      %add3A_176 = arith.addi %select_n3A_170, %add3A_175 : vector<16xi32>
      %select_n3A_177 = arith.select %gt3A_173, %add3A_176, %select_n3A_170 : vector<16xi1>, vector<16xi32>
      %gt3A_178 = arith.constant -0.792489588 : f32
      %gt3A_179 = vector.broadcast %gt3A_178 : f32 to vector<16xf32>
      %gt3A_180 = arith.cmpf ogt, %gather3A_118, %gt3A_179 : vector<16xf32>
      %add3A_181 = arith.constant 1 : i32
      %add3A_182 = vector.broadcast %add3A_181 : i32 to vector<16xi32>
      %add3A_183 = arith.addi %select_n3A_177, %add3A_182 : vector<16xi32>
      %select_n3A_184 = arith.select %gt3A_180, %add3A_183, %select_n3A_177 : vector<16xi1>, vector<16xi32>
      %gt3A_185 = arith.constant -0.437277913 : f32
      %gt3A_186 = vector.broadcast %gt3A_185 : f32 to vector<16xf32>
      %gt3A_187 = arith.cmpf ogt, %gather3A_118, %gt3A_186 : vector<16xf32>
      %add3A_188 = arith.constant 1 : i32
      %add3A_189 = vector.broadcast %add3A_188 : i32 to vector<16xi32>
      %add3A_190 = arith.addi %select_n3A_184, %add3A_189 : vector<16xi32>
      %select_n3A_191 = arith.select %gt3A_187, %add3A_190, %select_n3A_184 : vector<16xi1>, vector<16xi32>
      %gt3A_192 = arith.constant -0.143695354 : f32
      %gt3A_193 = vector.broadcast %gt3A_192 : f32 to vector<16xf32>
      %gt3A_194 = arith.cmpf ogt, %gather3A_118, %gt3A_193 : vector<16xf32>
      %add3A_195 = arith.constant 1 : i32
      %add3A_196 = vector.broadcast %add3A_195 : i32 to vector<16xi32>
      %add3A_197 = arith.addi %select_n3A_191, %add3A_196 : vector<16xi32>
      %select_n3A_198 = arith.select %gt3A_194, %add3A_197, %select_n3A_191 : vector<16xi1>, vector<16xi32>
      %gt3A_199 = arith.constant 0.149887204 : f32
      %gt3A_200 = vector.broadcast %gt3A_199 : f32 to vector<16xf32>
      %gt3A_201 = arith.cmpf ogt, %gather3A_118, %gt3A_200 : vector<16xf32>
      %add3A_202 = arith.constant 1 : i32
      %add3A_203 = vector.broadcast %add3A_202 : i32 to vector<16xi32>
      %add3A_204 = arith.addi %select_n3A_198, %add3A_203 : vector<16xi32>
      %select_n3A_205 = arith.select %gt3A_201, %add3A_204, %select_n3A_198 : vector<16xi1>, vector<16xi32>
      %gt3A_206 = arith.constant 0.505098939 : f32
      %gt3A_207 = vector.broadcast %gt3A_206 : f32 to vector<16xf32>
      %gt3A_208 = arith.cmpf ogt, %gather3A_118, %gt3A_207 : vector<16xf32>
      %add3A_209 = arith.constant 1 : i32
      %add3A_210 = vector.broadcast %add3A_209 : i32 to vector<16xi32>
      %add3A_211 = arith.addi %select_n3A_205, %add3A_210 : vector<16xi32>
      %select_n3A_212 = arith.select %gt3A_208, %add3A_211, %select_n3A_205 : vector<16xi1>, vector<16xi32>
      %gt3A_213 = arith.constant 1.13556063 : f32
      %gt3A_214 = vector.broadcast %gt3A_213 : f32 to vector<16xf32>
      %gt3A_215 = arith.cmpf ogt, %gather3A_118, %gt3A_214 : vector<16xf32>
      %add3A_216 = arith.constant 1 : i32
      %add3A_217 = vector.broadcast %add3A_216 : i32 to vector<16xi32>
      %add3A_218 = arith.addi %select_n3A_212, %add3A_217 : vector<16xi32>
      %select_n3A_219 = arith.select %gt3A_215, %add3A_218, %select_n3A_212 : vector<16xi1>, vector<16xi32>
      %gather3A_220 = tpu.vector_load_idx %arg12[%select_n3A_219] : memref<160xf32, #tpu.memory_space<vmem>>[vector<16xi32>], vector<16xf32>,
      tpu.vector_store_idx %arg9[%add3A_102], %gather3A_220 : memref<12288xf32, #tpu.memory_space<vmem>>[vector<16xi32>], vector<16xf32>,
      %gather3A_221 = tpu.vector_load_idx %arg13[%select_n3A_219] : memref<160xf32, #tpu.memory_space<vmem>>[vector<16xi32>], vector<16xf32>,
      tpu.vector_store_idx %arg9[%add3A_105], %gather3A_221 : memref<12288xf32, #tpu.memory_space<vmem>>[vector<16xi32>], vector<16xf32>,
      %broadcast_in_dim3A_222 = arith.constant 64 : i32
      %broadcast_in_dim3A_223 = vector.broadcast %broadcast_in_dim3A_222 : i32 to vector<16xi32>
      %gt3A_224 = arith.constant -1.42295134 : f32
      %gt3A_225 = vector.broadcast %gt3A_224 : f32 to vector<16xf32>
      %gt3A_226 = arith.cmpf ogt, %gather3A_119, %gt3A_225 : vector<16xf32>
      %add3A_227 = arith.constant 8 : i32
      %add3A_228 = vector.broadcast %add3A_227 : i32 to vector<16xi32>
      %add3A_229 = arith.addi %broadcast_in_dim3A_223, %add3A_228 : vector<16xi32>
      %select_n3A_230 = arith.select %gt3A_226, %add3A_229, %broadcast_in_dim3A_223 : vector<16xi1>, vector<16xi32>
      %gt3A_231 = arith.constant -0.792489588 : f32
      %gt3A_232 = vector.broadcast %gt3A_231 : f32 to vector<16xf32>
      %gt3A_233 = arith.cmpf ogt, %gather3A_119, %gt3A_232 : vector<16xf32>
      %add3A_234 = arith.constant 8 : i32
      %add3A_235 = vector.broadcast %add3A_234 : i32 to vector<16xi32>
      %add3A_236 = arith.addi %select_n3A_230, %add3A_235 : vector<16xi32>
      %select_n3A_237 = arith.select %gt3A_233, %add3A_236, %select_n3A_230 : vector<16xi1>, vector<16xi32>
      %gt3A_238 = arith.constant -0.437277913 : f32
      %gt3A_239 = vector.broadcast %gt3A_238 : f32 to vector<16xf32>
      %gt3A_240 = arith.cmpf ogt, %gather3A_119, %gt3A_239 : vector<16xf32>
      %add3A_241 = arith.constant 8 : i32
      %add3A_242 = vector.broadcast %add3A_241 : i32 to vector<16xi32>
      %add3A_243 = arith.addi %select_n3A_237, %add3A_242 : vector<16xi32>
      %select_n3A_244 = arith.select %gt3A_240, %add3A_243, %select_n3A_237 : vector<16xi1>, vector<16xi32>
      %gt3A_245 = arith.constant -0.143695354 : f32
      %gt3A_246 = vector.broadcast %gt3A_245 : f32 to vector<16xf32>
      %gt3A_247 = arith.cmpf ogt, %gather3A_119, %gt3A_246 : vector<16xf32>
      %add3A_248 = arith.constant 8 : i32
      %add3A_249 = vector.broadcast %add3A_248 : i32 to vector<16xi32>
      %add3A_250 = arith.addi %select_n3A_244, %add3A_249 : vector<16xi32>
      %select_n3A_251 = arith.select %gt3A_247, %add3A_250, %select_n3A_244 : vector<16xi1>, vector<16xi32>
      %gt3A_252 = arith.constant 0.149887204 : f32
      %gt3A_253 = vector.broadcast %gt3A_252 : f32 to vector<16xf32>
      %gt3A_254 = arith.cmpf ogt, %gather3A_119, %gt3A_253 : vector<16xf32>
      %add3A_255 = arith.constant 8 : i32
      %add3A_256 = vector.broadcast %add3A_255 : i32 to vector<16xi32>
      %add3A_257 = arith.addi %select_n3A_251, %add3A_256 : vector<16xi32>
      %select_n3A_258 = arith.select %gt3A_254, %add3A_257, %select_n3A_251 : vector<16xi1>, vector<16xi32>
      %gt3A_259 = arith.constant 0.505098939 : f32
      %gt3A_260 = vector.broadcast %gt3A_259 : f32 to vector<16xf32>
      %gt3A_261 = arith.cmpf ogt, %gather3A_119, %gt3A_260 : vector<16xf32>
      %add3A_262 = arith.constant 8 : i32
      %add3A_263 = vector.broadcast %add3A_262 : i32 to vector<16xi32>
      %add3A_264 = arith.addi %select_n3A_258, %add3A_263 : vector<16xi32>
      %select_n3A_265 = arith.select %gt3A_261, %add3A_264, %select_n3A_258 : vector<16xi1>, vector<16xi32>
      %gt3A_266 = arith.constant 1.13556063 : f32
      %gt3A_267 = vector.broadcast %gt3A_266 : f32 to vector<16xf32>
      %gt3A_268 = arith.cmpf ogt, %gather3A_119, %gt3A_267 : vector<16xf32>
      %add3A_269 = arith.constant 8 : i32
      %add3A_270 = vector.broadcast %add3A_269 : i32 to vector<16xi32>
      %add3A_271 = arith.addi %select_n3A_265, %add3A_270 : vector<16xi32>
      %select_n3A_272 = arith.select %gt3A_268, %add3A_271, %select_n3A_265 : vector<16xi1>, vector<16xi32>
      %gt3A_273 = arith.constant -1.42295134 : f32
      %gt3A_274 = vector.broadcast %gt3A_273 : f32 to vector<16xf32>
      %gt3A_275 = arith.cmpf ogt, %gather3A_120, %gt3A_274 : vector<16xf32>
      %add3A_276 = arith.constant 1 : i32
      %add3A_277 = vector.broadcast %add3A_276 : i32 to vector<16xi32>
      %add3A_278 = arith.addi %select_n3A_272, %add3A_277 : vector<16xi32>
      %select_n3A_279 = arith.select %gt3A_275, %add3A_278, %select_n3A_272 : vector<16xi1>, vector<16xi32>
      %gt3A_280 = arith.constant -0.792489588 : f32
      %gt3A_281 = vector.broadcast %gt3A_280 : f32 to vector<16xf32>
      %gt3A_282 = arith.cmpf ogt, %gather3A_120, %gt3A_281 : vector<16xf32>
      %add3A_283 = arith.constant 1 : i32
      %add3A_284 = vector.broadcast %add3A_283 : i32 to vector<16xi32>
      %add3A_285 = arith.addi %select_n3A_279, %add3A_284 : vector<16xi32>
      %select_n3A_286 = arith.select %gt3A_282, %add3A_285, %select_n3A_279 : vector<16xi1>, vector<16xi32>
      %gt3A_287 = arith.constant -0.437277913 : f32
      %gt3A_288 = vector.broadcast %gt3A_287 : f32 to vector<16xf32>
      %gt3A_289 = arith.cmpf ogt, %gather3A_120, %gt3A_288 : vector<16xf32>
      %add3A_290 = arith.constant 1 : i32
      %add3A_291 = vector.broadcast %add3A_290 : i32 to vector<16xi32>
      %add3A_292 = arith.addi %select_n3A_286, %add3A_291 : vector<16xi32>
      %select_n3A_293 = arith.select %gt3A_289, %add3A_292, %select_n3A_286 : vector<16xi1>, vector<16xi32>
      %gt3A_294 = arith.constant -0.143695354 : f32
      %gt3A_295 = vector.broadcast %gt3A_294 : f32 to vector<16xf32>
      %gt3A_296 = arith.cmpf ogt, %gather3A_120, %gt3A_295 : vector<16xf32>
      %add3A_297 = arith.constant 1 : i32
      %add3A_298 = vector.broadcast %add3A_297 : i32 to vector<16xi32>
      %add3A_299 = arith.addi %select_n3A_293, %add3A_298 : vector<16xi32>
      %select_n3A_300 = arith.select %gt3A_296, %add3A_299, %select_n3A_293 : vector<16xi1>, vector<16xi32>
      %gt3A_301 = arith.constant 0.149887204 : f32
      %gt3A_302 = vector.broadcast %gt3A_301 : f32 to vector<16xf32>
      %gt3A_303 = arith.cmpf ogt, %gather3A_120, %gt3A_302 : vector<16xf32>
      %add3A_304 = arith.constant 1 : i32
      %add3A_305 = vector.broadcast %add3A_304 : i32 to vector<16xi32>
      %add3A_306 = arith.addi %select_n3A_300, %add3A_305 : vector<16xi32>
      %select_n3A_307 = arith.select %gt3A_303, %add3A_306, %select_n3A_300 : vector<16xi1>, vector<16xi32>
      %gt3A_308 = arith.constant 0.505098939 : f32
      %gt3A_309 = vector.broadcast %gt3A_308 : f32 to vector<16xf32>
      %gt3A_310 = arith.cmpf ogt, %gather3A_120, %gt3A_309 : vector<16xf32>
      %add3A_311 = arith.constant 1 : i32
      %add3A_312 = vector.broadcast %add3A_311 : i32 to vector<16xi32>
      %add3A_313 = arith.addi %select_n3A_307, %add3A_312 : vector<16xi32>
      %select_n3A_314 = arith.select %gt3A_310, %add3A_313, %select_n3A_307 : vector<16xi1>, vector<16xi32>
      %gt3A_315 = arith.constant 1.13556063 : f32
      %gt3A_316 = vector.broadcast %gt3A_315 : f32 to vector<16xf32>
      %gt3A_317 = arith.cmpf ogt, %gather3A_120, %gt3A_316 : vector<16xf32>
      %add3A_318 = arith.constant 1 : i32
      %add3A_319 = vector.broadcast %add3A_318 : i32 to vector<16xi32>
      %add3A_320 = arith.addi %select_n3A_314, %add3A_319 : vector<16xi32>
      %select_n3A_321 = arith.select %gt3A_317, %add3A_320, %select_n3A_314 : vector<16xi1>, vector<16xi32>
      %gather3A_322 = tpu.vector_load_idx %arg12[%select_n3A_321] : memref<160xf32, #tpu.memory_space<vmem>>[vector<16xi32>], vector<16xf32>,
      tpu.vector_store_idx %arg9[%add3A_108], %gather3A_322 : memref<12288xf32, #tpu.memory_space<vmem>>[vector<16xi32>], vector<16xf32>,
      %gather3A_323 = tpu.vector_load_idx %arg13[%select_n3A_321] : memref<160xf32, #tpu.memory_space<vmem>>[vector<16xi32>], vector<16xf32>,
      tpu.vector_store_idx %arg9[%add3A_111], %gather3A_323 : memref<12288xf32, #tpu.memory_space<vmem>>[vector<16xi32>], vector<16xf32>,
      %broadcast_in_dim3A_324 = arith.constant 128 : i32
      %broadcast_in_dim3A_325 = vector.broadcast %broadcast_in_dim3A_324 : i32 to vector<16xi32>
      %gt3A_326 = arith.constant -1.29892063 : f32
      %gt3A_327 = vector.broadcast %gt3A_326 : f32 to vector<16xf32>
      %gt3A_328 = arith.cmpf ogt, %gather3A_121, %gt3A_327 : vector<16xf32>
      %add3A_329 = arith.constant 5 : i32
      %add3A_330 = vector.broadcast %add3A_329 : i32 to vector<16xi32>
      %add3A_331 = arith.addi %broadcast_in_dim3A_325, %add3A_330 : vector<16xi32>
      %select_n3A_332 = arith.select %gt3A_328, %add3A_331, %broadcast_in_dim3A_325 : vector<16xi1>, vector<16xi32>
      %gt3A_333 = arith.constant -0.625697732 : f32
      %gt3A_334 = vector.broadcast %gt3A_333 : f32 to vector<16xf32>
      %gt3A_335 = arith.cmpf ogt, %gather3A_121, %gt3A_334 : vector<16xf32>
      %add3A_336 = arith.constant 5 : i32
      %add3A_337 = vector.broadcast %add3A_336 : i32 to vector<16xi32>
      %add3A_338 = arith.addi %select_n3A_332, %add3A_337 : vector<16xi32>
      %select_n3A_339 = arith.select %gt3A_335, %add3A_338, %select_n3A_332 : vector<16xi1>, vector<16xi32>
      %gt3A_340 = arith.constant -0.202524439 : f32
      %gt3A_341 = vector.broadcast %gt3A_340 : f32 to vector<16xf32>
      %gt3A_342 = arith.cmpf ogt, %gather3A_121, %gt3A_341 : vector<16xf32>
      %add3A_343 = arith.constant 5 : i32
      %add3A_344 = vector.broadcast %add3A_343 : i32 to vector<16xi32>
      %add3A_345 = arith.addi %select_n3A_339, %add3A_344 : vector<16xi32>
      %select_n3A_346 = arith.select %gt3A_342, %add3A_345, %select_n3A_339 : vector<16xi1>, vector<16xi32>
      %gt3A_347 = arith.constant 0.22064887 : f32
      %gt3A_348 = vector.broadcast %gt3A_347 : f32 to vector<16xf32>
      %gt3A_349 = arith.cmpf ogt, %gather3A_121, %gt3A_348 : vector<16xf32>
      %add3A_350 = arith.constant 5 : i32
      %add3A_351 = vector.broadcast %add3A_350 : i32 to vector<16xi32>
      %add3A_352 = arith.addi %select_n3A_346, %add3A_351 : vector<16xi32>
      %select_n3A_353 = arith.select %gt3A_349, %add3A_352, %select_n3A_346 : vector<16xi1>, vector<16xi32>
      %gt3A_354 = arith.constant 0.893871784 : f32
      %gt3A_355 = vector.broadcast %gt3A_354 : f32 to vector<16xf32>
      %gt3A_356 = arith.cmpf ogt, %gather3A_121, %gt3A_355 : vector<16xf32>
      %add3A_357 = arith.constant 5 : i32
      %add3A_358 = vector.broadcast %add3A_357 : i32 to vector<16xi32>
      %add3A_359 = arith.addi %select_n3A_353, %add3A_358 : vector<16xi32>
      %select_n3A_360 = arith.select %gt3A_356, %add3A_359, %select_n3A_353 : vector<16xi1>, vector<16xi32>
      %gt3A_361 = arith.constant -0.971244692 : f32
      %gt3A_362 = vector.broadcast %gt3A_361 : f32 to vector<16xf32>
      %gt3A_363 = arith.cmpf ogt, %gather3A_122, %gt3A_362 : vector<16xf32>
      %add3A_364 = arith.constant 1 : i32
      %add3A_365 = vector.broadcast %add3A_364 : i32 to vector<16xi32>
      %add3A_366 = arith.addi %select_n3A_360, %add3A_365 : vector<16xi32>
      %select_n3A_367 = arith.select %gt3A_363, %add3A_366, %select_n3A_360 : vector<16xi1>, vector<16xi32>
      %gt3A_368 = arith.constant -0.255146444 : f32
      %gt3A_369 = vector.broadcast %gt3A_368 : f32 to vector<16xf32>
      %gt3A_370 = arith.cmpf ogt, %gather3A_122, %gt3A_369 : vector<16xf32>
      %add3A_371 = arith.constant 1 : i32
      %add3A_372 = vector.broadcast %add3A_371 : i32 to vector<16xi32>
      %add3A_373 = arith.addi %select_n3A_367, %add3A_372 : vector<16xi32>
      %select_n3A_374 = arith.select %gt3A_370, %add3A_373, %select_n3A_367 : vector<16xi1>, vector<16xi32>
      %gt3A_375 = arith.constant 0.255146444 : f32
      %gt3A_376 = vector.broadcast %gt3A_375 : f32 to vector<16xf32>
      %gt3A_377 = arith.cmpf ogt, %gather3A_122, %gt3A_376 : vector<16xf32>
      %add3A_378 = arith.constant 1 : i32
      %add3A_379 = vector.broadcast %add3A_378 : i32 to vector<16xi32>
      %add3A_380 = arith.addi %select_n3A_374, %add3A_379 : vector<16xi32>
      %select_n3A_381 = arith.select %gt3A_377, %add3A_380, %select_n3A_374 : vector<16xi1>, vector<16xi32>
      %gt3A_382 = arith.constant 0.971244692 : f32
      %gt3A_383 = vector.broadcast %gt3A_382 : f32 to vector<16xf32>
      %gt3A_384 = arith.cmpf ogt, %gather3A_122, %gt3A_383 : vector<16xf32>
      %add3A_385 = arith.constant 1 : i32
      %add3A_386 = vector.broadcast %add3A_385 : i32 to vector<16xi32>
      %add3A_387 = arith.addi %select_n3A_381, %add3A_386 : vector<16xi32>
      %select_n3A_388 = arith.select %gt3A_384, %add3A_387, %select_n3A_381 : vector<16xi1>, vector<16xi32>
      %gather3A_389 = tpu.vector_load_idx %arg12[%select_n3A_388] : memref<160xf32, #tpu.memory_space<vmem>>[vector<16xi32>], vector<16xf32>,
      tpu.vector_store_idx %arg9[%add3A_114], %gather3A_389 : memref<12288xf32, #tpu.memory_space<vmem>>[vector<16xi32>], vector<16xf32>,
      %gather3A_390 = tpu.vector_load_idx %arg13[%select_n3A_388] : memref<160xf32, #tpu.memory_space<vmem>>[vector<16xi32>], vector<16xf32>,
      tpu.vector_store_idx %arg9[%add3A_117], %gather3A_390 : memref<12288xf32, #tpu.memory_space<vmem>>[vector<16xi32>], vector<16xf32>,
      %gather3A_391 = tpu.vector_load_idx %arg11[%select_n3A_219] : memref<160xi32, #tpu.memory_space<vmem>>[vector<16xi32>], vector<16xi32>,
      %gather3A_392 = tpu.vector_load_idx %arg11[%select_n3A_321] : memref<160xi32, #tpu.memory_space<vmem>>[vector<16xi32>], vector<16xi32>,
      %add3A_393 = arith.addi %gather3A_391, %gather3A_392 : vector<16xi32>
      %gather3A_394 = tpu.vector_load_idx %arg11[%select_n3A_388] : memref<160xi32, #tpu.memory_space<vmem>>[vector<16xi32>], vector<16xi32>,
      %add3A_395 = arith.addi %add3A_393, %gather3A_394 : vector<16xi32>
      %mul3A_396 = arith.constant 16 : i32
      %mul3A_397 = arith.muli %scan3A_95, %mul3A_396 : i32
      %swap3A = arith.index_cast %mul3A_397 : i32 to index
      %swap3A_398 = tpu.vector_load %arg10[%swap3A] {strides = array<i32>} : memref<2048xi32, #tpu.memory_space<vmem>>, vector<16xi32>,
      tpu.vector_store %arg10[%swap3A], %add3A_395 {strides = array<i32>} : memref<2048xi32, #tpu.memory_space<vmem>>, vector<16xi32>,
    }
    %scan3A_54 = arith.constant 64 : i32
    %add3A_55 = arith.constant 6144 : i32
    %add3A_56 = arith.addi %mul3A_2, %add3A_55 : i32
    %dma_start3A_57 = arith.constant 6144 : i32
    %dma_start3A_58 = tpu.memref_slice %arg9[%dma_start3A_57] : memref<12288xf32, #tpu.memory_space<vmem>> -> memref<6144xf32, #tpu.memory_space<vmem>>
    %dma_start3A_59 = tpu.memref_slice %arg6[%add3A_56] : memref<393216xf32, #tpu.memory_space<hbm>> -> memref<6144xf32, #tpu.memory_space<hbm>>
    %dma_start3A_60 = tpu.memref_slice %arg6[%add3A_56] : memref<393216xf32, #tpu.memory_space<hbm>> -> memref<6144xf32, #tpu.memory_space<hbm>>
    %dma_start3A_61 = arith.constant 6144 : i32
    %dma_start3A_62 = tpu.memref_slice %arg9[%dma_start3A_61] : memref<12288xf32, #tpu.memory_space<vmem>> -> memref<6144xf32, #tpu.memory_space<vmem>>
    tpu.enqueue_dma source(%dma_start3A_62 : memref<6144xf32, #tpu.memory_space<vmem>>) target(%dma_start3A_60 : memref<6144xf32, #tpu.memory_space<hbm>>) target_semaphore(%arg16 : memref<!tpu.dma_semaphore, #tpu.memory_space<semaphore_mem>>)
    %add3A_63 = arith.constant 1024 : i32
    %add3A_64 = arith.addi %mul3A_4, %add3A_63 : i32
    %dma_start3A_65 = arith.constant 1024 : i32
    %dma_start3A_66 = tpu.memref_slice %arg10[%dma_start3A_65] : memref<2048xi32, #tpu.memory_space<vmem>> -> memref<1024xi32, #tpu.memory_space<vmem>>
    %dma_start3A_67 = tpu.memref_slice %arg7[%add3A_64] : memref<65536xi32, #tpu.memory_space<hbm>> -> memref<1024xi32, #tpu.memory_space<hbm>>
    %dma_start3A_68 = tpu.memref_slice %arg7[%add3A_64] : memref<65536xi32, #tpu.memory_space<hbm>> -> memref<1024xi32, #tpu.memory_space<hbm>>
    %dma_start3A_69 = arith.constant 1024 : i32
    %dma_start3A_70 = tpu.memref_slice %arg10[%dma_start3A_69] : memref<2048xi32, #tpu.memory_space<vmem>> -> memref<1024xi32, #tpu.memory_space<vmem>>
    tpu.enqueue_dma source(%dma_start3A_70 : memref<1024xi32, #tpu.memory_space<vmem>>) target(%dma_start3A_68 : memref<1024xi32, #tpu.memory_space<hbm>>) target_semaphore(%arg17 : memref<!tpu.dma_semaphore, #tpu.memory_space<semaphore_mem>>)
    %dma_wait3A_71 = arith.constant 0 : i32
    %dma_wait3A_72 = tpu.memref_slice %arg9[%dma_wait3A_71] : memref<12288xf32, #tpu.memory_space<vmem>> -> memref<6144xf32, #tpu.memory_space<vmem>>
    %dma_wait3A_73 = tpu.memref_slice %arg6[%mul3A_2] : memref<393216xf32, #tpu.memory_space<hbm>> -> memref<6144xf32, #tpu.memory_space<hbm>>
    %dma_wait3A_74 = tpu.memref_slice %arg6[%mul3A_2] : memref<393216xf32, #tpu.memory_space<hbm>> -> memref<6144xf32, #tpu.memory_space<hbm>>
    %dma_wait3A_75 = arith.constant 0 : i32
    %dma_wait3A_76 = tpu.memref_slice %arg9[%dma_wait3A_75] : memref<12288xf32, #tpu.memory_space<vmem>> -> memref<6144xf32, #tpu.memory_space<vmem>>
    tpu.wait_dma2 semaphore(%arg16 : memref<!tpu.dma_semaphore, #tpu.memory_space<semaphore_mem>>) src(%dma_wait3A_76 : memref<6144xf32, #tpu.memory_space<vmem>>) dst(%dma_wait3A_74 : memref<6144xf32, #tpu.memory_space<hbm>>)
    %dma_wait3A_77 = arith.constant 0 : i32
    %dma_wait3A_78 = tpu.memref_slice %arg10[%dma_wait3A_77] : memref<2048xi32, #tpu.memory_space<vmem>> -> memref<1024xi32, #tpu.memory_space<vmem>>
    %dma_wait3A_79 = tpu.memref_slice %arg7[%mul3A_4] : memref<65536xi32, #tpu.memory_space<hbm>> -> memref<1024xi32, #tpu.memory_space<hbm>>
    %dma_wait3A_80 = tpu.memref_slice %arg7[%mul3A_4] : memref<65536xi32, #tpu.memory_space<hbm>> -> memref<1024xi32, #tpu.memory_space<hbm>>
    %dma_wait3A_81 = arith.constant 0 : i32
    %dma_wait3A_82 = tpu.memref_slice %arg10[%dma_wait3A_81] : memref<2048xi32, #tpu.memory_space<vmem>> -> memref<1024xi32, #tpu.memory_space<vmem>>
    tpu.wait_dma2 semaphore(%arg17 : memref<!tpu.dma_semaphore, #tpu.memory_space<semaphore_mem>>) src(%dma_wait3A_82 : memref<1024xi32, #tpu.memory_space<vmem>>) dst(%dma_wait3A_80 : memref<1024xi32, #tpu.memory_space<hbm>>)
    %dma_wait3A_83 = arith.constant 6144 : i32
    %dma_wait3A_84 = tpu.memref_slice %arg9[%dma_wait3A_83] : memref<12288xf32, #tpu.memory_space<vmem>> -> memref<6144xf32, #tpu.memory_space<vmem>>
    %dma_wait3A_85 = tpu.memref_slice %arg6[%add3A_56] : memref<393216xf32, #tpu.memory_space<hbm>> -> memref<6144xf32, #tpu.memory_space<hbm>>
    %dma_wait3A_86 = tpu.memref_slice %arg6[%add3A_56] : memref<393216xf32, #tpu.memory_space<hbm>> -> memref<6144xf32, #tpu.memory_space<hbm>>
    %dma_wait3A_87 = arith.constant 6144 : i32
    %dma_wait3A_88 = tpu.memref_slice %arg9[%dma_wait3A_87] : memref<12288xf32, #tpu.memory_space<vmem>> -> memref<6144xf32, #tpu.memory_space<vmem>>
    tpu.wait_dma2 semaphore(%arg16 : memref<!tpu.dma_semaphore, #tpu.memory_space<semaphore_mem>>) src(%dma_wait3A_88 : memref<6144xf32, #tpu.memory_space<vmem>>) dst(%dma_wait3A_86 : memref<6144xf32, #tpu.memory_space<hbm>>)
    %dma_wait3A_89 = arith.constant 1024 : i32
    %dma_wait3A_90 = tpu.memref_slice %arg10[%dma_wait3A_89] : memref<2048xi32, #tpu.memory_space<vmem>> -> memref<1024xi32, #tpu.memory_space<vmem>>
    %dma_wait3A_91 = tpu.memref_slice %arg7[%add3A_64] : memref<65536xi32, #tpu.memory_space<hbm>> -> memref<1024xi32, #tpu.memory_space<hbm>>
    %dma_wait3A_92 = tpu.memref_slice %arg7[%add3A_64] : memref<65536xi32, #tpu.memory_space<hbm>> -> memref<1024xi32, #tpu.memory_space<hbm>>
    %dma_wait3A_93 = arith.constant 1024 : i32
    %dma_wait3A_94 = tpu.memref_slice %arg10[%dma_wait3A_93] : memref<2048xi32, #tpu.memory_space<vmem>> -> memref<1024xi32, #tpu.memory_space<vmem>>
    tpu.wait_dma2 semaphore(%arg17 : memref<!tpu.dma_semaphore, #tpu.memory_space<semaphore_mem>>) src(%dma_wait3A_94 : memref<1024xi32, #tpu.memory_space<vmem>>) dst(%dma_wait3A_92 : memref<1024xi32, #tpu.memory_space<hbm>>)
    return
  }
}

</mosaic_0001>

<sc_bundles>
// kernel: kernel.3.cloned.1.call-start
scs
__scs_entry_jumppad:
0x0: {  	(pc) =	sbr.rel $0x88, $3  }
0x1: {  	(tag) =	ssettag $0x0;
	lr =	simm.s32 $0x1  }
0x2: {  	[smem:$0x3FA0] =	sst lr;
	_ =	strace $0xD0000000  }
0x3: {  	_ = 	snop  }
0x4: {  	_ = 	snop  }
0x5: {  	_ = 	snop  }
0x6: {  	_ = 	snop  }
0x7: {  	_ = 	snop  }
__scs_overlays_trampoline_lowered:
0x8: {  	[smem:$0x3FAF] =	sst s0  }
0x9: {  	[smem:$0x3FB0] =	sst s1  }
0xa: {  	[smem:$0x3FB1] =	sst s2  }
0xb: {  	[smem:$0x3FB2] =	sst s3  }
0xc: {  	[smem:$0x3FB3] =	sst s4  }
0xd: {  	[smem:$0x3FB4] =	sst s5  }
0xe: {  	[smem:$0x3FB5] =	sst s6  }
0xf: {  	[smem:$0x3FB6] =	sst s7  }
0x10: {  	[smem:$0x3FB7] =	sst s8  }
0x11: {  	[smem:$0x3FB8] =	sst s9;
	s0 =	simm.s32 @!p0 $0x0  }
0x12: {  	s1 =	sld [smem:$0x3F9E];
	s0 =	simm.s32 @p0 $0x1  }
0x13: {  	[smem:$0x3FB9] =	sst s0;
	s0 =	simm.s32 @!p1 $0x0  }
0x14: {  	s2 =	sld [smem:$0x3F9D];
	s0 =	simm.s32 @p1 $0x1  }
0x15: {  	[smem:$0x3FBA] =	sst s0;
	s0 =	simm.s32 @!p2 $0x0  }
0x16: {  	s3 =	sld [smem:$0x3FDB];
	s0 =	simm.s32 @p2 $0x1  }
0x17: {  	s4 =	simm.s32 $0x1BF5;
	[smem:$0x3FBC] =	sst s0  }
0x18: {  	s0 =	sld [smem:$0x3F9F];
	_ =	swait.ge [sflag:s4], $0x0  }
0x19: {  	s7 =	sld [smem:$0x3FA0]  }
0x1a: {  	s8 =	sadd.s32 $0xFFFFE003, lr  }
0x1b: {  	s9 =	sadd.s32 $0xFFFFFEF7, lr;
	s5 =	simm.s32 $0xFFFFFFFF;
	p2 =	slt.u32 s8, $0xFFFFF086  }
0x1c: {  	p1 =	slt.u32 s9, $0xF7A;
	s5 =	simm.s32 @!p2 $0x0  }
0x1d: {  	s5 =	simm.s32 @p1 $0x1;
	p0 =	seq.s32 s7, s2  }
0x1e: {  	s7 =	smul.u32 @!p0 $0xF7A, s2;
	p2 =	seq.s32 @!p0 s5, $0x0  }
0x1f: {  	s9 =	smul.u32 $0xF7A, s1;
	s8 =	simm.s32 @!p0 $0x1BF5;
	p2 =	por !p2, p0  }
0x20: {  	[sflag:s8] =	ssyncset.s32 @!p0 $0xFFFFF086;
	s6 =	sadd.s32 @!p0 s3, s7;
	s7 =	simm.s32 @!p0 $0x108  }
0x21: {  	s3 =	sadd.s32 s3, s9;
	s6 =	sadd.s32 @!p0 $0x88, s6;
	s7 =	simm.s32 @p2 $0x1082  }
0x22: {  	[simem:s7], [sflag:s8] =	dma.local @!p0 [hbm:s6], $0xF7A  }
0x23: {  	s9 =	sor.u32 $0xD0000000, s2;
	s6 =	simm.s32 $0x108;
	_ =	swait.ge @!p0 [sflag:s8], $0x0  }
0x24: {  	s3 =	sadd.s32 $0x88, s3;
	s6 =	simm.s32 @!p1 $0x1082;
	[sflag:s4] =	ssyncset.s32 $0xFFFFF086  }
0x25: {  	[simem:s6], [sflag:s4] =	dma.local [hbm:s3], $0xF7A  }
0x26: {  	[smem:$0x3FA0] =	sst s1;
	(tag) =	ssettag s2;
	_ =	strace s9  }
0x27: {  	s1 =	sld [smem:$0x3FB0]  }
0x28: {  	s2 =	sld [smem:$0x3FB1]  }
0x29: {  	s4 =	sld [smem:$0x3FB3]  }
0x2a: {  	p0 =	seq.s32 s5, $0x0;
	s5 =	sld [smem:$0x3FB4]  }
0x2b: {  	s6 =	sld [smem:$0x3FB5]  }
0x2c: {  	s7 =	sld [smem:$0x3FB6]  }
0x2d: {  	s3 =	simm.s32 $0x108;
	s8 =	sld [smem:$0x3FB7]  }
0x2e: {  	s3 =	simm.s32 @!p0 $0x1082;
	s9 =	sld [smem:$0x3FB8]  }
0x2f: {  	lr =	sadd.s32 s0, s3;
	s0 =	sld [smem:$0x3FAF]  }
0x30: {  	s3 =	sld [smem:$0x3FB2]  }
0x31: {  	[smem:$0x3FBB] =	sst s10  }
0x32: {  	s10 =	sld [smem:$0x3FB9];
	_ =	sdelay $0x3  }
0x33: {  	p0 =	seq.s32 s10, $0x1;
	s10 =	sld [smem:$0x3FBB];
	_ =	sdelay $0x3  }
0x34: {  	[smem:$0x3FBB] =	sst s10  }
0x35: {  	s10 =	sld [smem:$0x3FBA];
	_ =	sdelay $0x3  }
0x36: {  	p1 =	seq.s32 s10, $0x1;
	s10 =	sld [smem:$0x3FBB];
	_ =	sdelay $0x3  }
0x37: {  	[smem:$0x3FBB] =	sst s10  }
0x38: {  	s10 =	sld [smem:$0x3FBC]  }
0x39: {  	_ = 	snop;
	(pc) =	sbr.ind lr, $3  }
0x3a: {  	_ = 	snop  }
0x3b: {  	_ = 	snop  }
0x3c: {  	p2 =	seq.s32 s10, $0x1;
	s10 =	sld [smem:$0x3FBB]  }
0x3d: {  	_ =	shalt  }
0x3e: {  	_ =	shalt  }
0x3f: {  	_ =	shalt  }
0x40: {  	_ =	shalt  }
0x41: {  	_ =	shalt  }
0x42: {  	_ =	shalt  }
0x43: {  	_ =	shalt  }
0x44: {  	_ =	shalt  }
0x45: {  	_ =	shalt  }
0x46: {  	_ =	shalt  }
0x47: {  	_ =	shalt  }
0x48: {  	_ =	shalt  }
0x49: {  	_ =	shalt  }
0x4a: {  	_ =	shalt  }
0x4b: {  	_ =	shalt  }
0x4c: {  	_ =	shalt  }
0x4d: {  	_ =	shalt  }
0x4e: {  	_ =	shalt  }
0x4f: {  	_ =	shalt  }
0x50: {  	_ =	shalt  }
0x51: {  	_ =	shalt  }
0x52: {  	_ =	shalt  }
0x53: {  	_ =	shalt  }
0x54: {  	_ =	shalt  }
0x55: {  	_ =	shalt  }
0x56: {  	_ =	shalt  }
0x57: {  	_ =	shalt  }
0x58: {  	_ =	shalt  }
0x59: {  	_ =	shalt  }
0x5a: {  	_ =	shalt  }
0x5b: {  	_ =	shalt  }
0x5c: {  	_ =	shalt  }
0x5d: {  	_ =	shalt  }
0x5e: {  	_ =	shalt  }
0x5f: {  	_ =	shalt  }
0x60: {  	_ =	shalt  }
0x61: {  	_ =	shalt  }
0x62: {  	_ =	shalt  }
0x63: {  	_ =	shalt  }
0x64: {  	_ =	shalt  }
0x65: {  	_ =	shalt  }
0x66: {  	_ =	shalt  }
0x67: {  	_ =	shalt  }
0x68: {  	_ =	shalt  }
0x69: {  	_ =	shalt  }
0x6a: {  	_ =	shalt  }
0x6b: {  	_ =	shalt  }
0x6c: {  	_ =	shalt  }
0x6d: {  	_ =	shalt  }
0x6e: {  	_ =	shalt  }
0x6f: {  	_ =	shalt  }
0x70: {  	_ =	shalt  }
0x71: {  	_ =	shalt  }
0x72: {  	_ =	shalt  }
0x73: {  	_ =	shalt  }
0x74: {  	_ =	shalt  }
0x75: {  	_ =	shalt  }
0x76: {  	_ =	shalt  }
0x77: {  	_ =	shalt  }
0x78: {  	_ =	shalt  }
0x79: {  	_ =	shalt  }
0x7a: {  	_ =	shalt  }
0x7b: {  	_ =	shalt  }
0x7c: {  	_ =	shalt  }
0x7d: {  	_ =	shalt  }
0x7e: {  	_ =	shalt  }
0x7f: {  	_ =	shalt  }
0x80: {  	_ =	shalt  }
0x81: {  	_ =	shalt  }
0x82: {  	_ =	shalt  }
0x83: {  	_ =	shalt  }
0x84: {  	_ =	shalt  }
0x85: {  	_ =	shalt  }
0x86: {  	_ =	shalt  }
0x87: {  	_ =	shalt  }
.Lfunc_end0:
.L_simem_size_0:
called_computation_lowered:
.L_overlay_start_0:
0x88: {  	s2 =	sld [smem:$0x3FD9]  }
0x89: {  	s3 =	sld [smem:$0x3FFE];
	_ =	sdelay $0x1  }
0x8a: {  	s1 =	srdreg.scid  }
0x8b: {  	s0 =	sand.u32 $0x1, s1  }
0x8c: {  	s14 =	sshll.u32 s0, $0xA;
	s2 =	sadd.s32 s3, s2  }
0x8d: {  	s2 =	sadd.s32 s2, s14  }
0x8e: {  	[smem:$0x3FC7] =	sst s2  }
0x8f: {  	_ = 	snop  }
0x90: {  	s2 =	sld [smem:$0x3FD0];
	_ =	sdelay $0x2  }
0x91: {  	s15 =	simm.s32 $0xA;
	s4 =	simm.s32 $0x10  }
0x92: {  	[smem:s4], [sflag:s15] =	dma.local [hbm:s2], $0x1  }
0x93: {  	_ =	swait.eq [sflag:s15], $0x1  }
0x94: {  	[sflag:s15] =	ssyncset.done $0x0  }
0x95: {  	s16 =	sld [smem:$0x10];
	[sflag:s15] =	ssyncadd.s32 $0xFFFFFFFF  }
0x96: {  	s17 =	sld [smem:$0x11];
	(tm) =	ssettm $0x1  }
0x97: {  	s18 =	sld [smem:$0x3FFB];
	_ =	sdelay $0x3  }
0x98: {  	_ =	strace s18  }
0x99: {  	s4 =	sld [smem:$0x3FFC];
	_ =	sdelay $0x3  }
0x9a: {  	_ =	strace s4  }
0x9b: {  	s4 =	sld [smem:$0x3FFD];
	_ =	sdelay $0x3  }
0x9c: {  	_ =	strace s4  }
0x9d: {  	_ =	strace $0x8FFFFFFF  }
0x9e: {  	s19 =	sld [smem:$0x3FDB];
	_ =	sdelay $0x1  }
0x9f: {  	s5 =	simm.s32 $_scs_section_size  }
0xa0: {  	s6 =	simm.s32 $_size__tile_overlayer_lowered;
	s7 =	simm.s32 $_tile_overlayer_lowered  }
0xa1: {  	s22 =	simm.s32 $0x1BFF;
	s21 =	sshll.u32 s7, $0x1;
	s4 =	sadd.s32 s5, s19  }
0xa2: {  	s8 =	simm.s32 $0x0;
	s20 =	sshll.u32 s6, $0x1;
	s6 =	sadd.s32 s21, s4  }
0xa3: {  	[timem:s8], [sflag:s22] =	dma.local [hbm:s6], s20  }
0xa4: {  	_ =	swait.ge [sflag:s22], s20  }
0xa5: {  	s5 =	ssub.s32 $0x0, s20;
	[sflag:s22] =	ssyncset.done $0x0  }
0xa6: {  	[sflag:s22] =	ssyncadd.s32 s5;
	_ =	sdelay $0x1  }
0xa7: {  	s23 =	simm.s32 $0x1B8B  }
0xa8: {  	_ =	swait.ge [sflag:s23], $0x1  }
0xa9: {  	[sflag:s23] =	ssyncset.done $0x0  }
0xaa: {  	s25 =	simm.s32 $0x1B8E;
	s24 =	sld [smem:$0x3FFE];
	[sflag:s23] =	ssyncadd.s32 $0xFFFFFFFF  }
0xab: {  	s26 =	simm.s32 $execute0_lowered;
	[smem:$0x3FD2] =	sst s25  }
0xac: {  	s6 =	sshll.u32 s26, $0x1;
	_ =	strace $0x80000046;
	[dreg:$0x1] =	wrdreg $0xFFFFFFFF  }
0xad: {  	s28 =	simm.s32 $_size_execute0_lowered;
	s4 =	sadd.s32 s4, s6;
	[dreg:$0x0] =	wrdreg $0x0  }
0xae: {  	s6 =	sshll.u32 s28, $0x1;
	[dreg:$0x2] =	wrdreg s4  }
0xaf: {  	[dreg:$0x3] =	wrdreg s6  }
0xb0: {  	[dreg:$0x4] =	wrdreg $0xC0  }
0xb1: {  	_ =	task [dreg:s8], $0x5FFFF  }
0xb2: {  	[dreg:$0x1] =	wrdreg $0xFFFFFFFF  }
0xb3: {  	[dreg:$0x0] =	wrdreg $0x60  }
0xb4: {  	[dreg:$0x2] =	wrdreg s16  }
0xb5: {  	[dreg:$0x3] =	wrdreg s17  }
0xb6: {  	[dreg:$0x4] =	wrdreg s24  }
0xb7: {  	[dreg:$0x5] =	wrdreg $0x9  }
0xb8: {  	_ =	task.clear_ibuf [dreg:s8], $0x6FFFF;
	_ =	strace $0x90000046  }
0xb9: {  	s29 =	simm.s32 $0x9;
	_ =	strace $0x80000048  }
0xba: {  	_ =	swait.ge [sflag:s29], $0x1  }
0xbb: {  	[sflag:s29] =	ssyncadd.s32 $0xFFFFFFFF  }
0xbc: {  	_ =	strace $0x90000048  }
0xbd: {  	_ =	sfence  }
0xbe: {  	s30 =	sld [smem:$0x0];
	_ =	sdelay $0x2  }
0xbf: {  	s31 =	sshll.u32 s1, $0xD;
	s1 =	sshrl.u32 s1, $0x2  }
0xc0: {  	s3 =	sand.u32 $0x4000, s31;
	s1 =	sadd.s32 s1, s30  }
0xc1: {  	s0 =	sor.u32 s3, s0;
	s1 =	sshll.u32 s1, $0x11  }
0xc2: {  	s0 =	sor.u32 s1, s0  }
0xc3: {  	s0 =	sadd.s32 $0x8F2B, s0  }
0xc4: {  	[sflag:s0] =	ssyncadd.remote.s32 $0x1  }
0xc5: {  	_ =	sfence.sel $0xFFFF  }
0xc6: {  	[dreg:$0x0] =	wrdreg $0xFFFFFFFF;
	(pc) =	sbr.abs _section_cstart, $3  }
0xc7: {  	[dreg:$0x1] =	wrdreg $0xFFFFFFFF  }
0xc8: {  	_ =	task.clear_ibuf [dreg:s8], $0x2FFFF;
	_ =	strace $0x9FFFFFFF  }
0xc9: {  	(tm) =	ssettm $0x7FFFFFFF  }
tec
execute0_lowered:
.L_overlay_start_1:
0x0: {  	(tag) =	ssettag $0x1  }
0x1: {  	s0 =	rddreg [dreg:$0x0]  }
0x2: {  	s2 =	rddreg [dreg:$0x1]  }
0x3: {  	s6 =	rddreg [dreg:$0x2];
	s4 =	srdreg.scid  }
0x4: {  	s1 =	stileid.u32;
	s3 =	simm.s32 $0x0;
	s14 =	simm.s32 $0x6800  }
0x5: {  	s15 =	simm.s32 $0x5;
	s16 =	simm.s32 $0x6900;
	s17 =	simm.s32 $0x6A00  }
0x6: {  	s18 =	simm.s32 $0x1;
	s19 =	simm.s32 $0x3000;
	s20 =	simm.s32 $0x6000  }
0x7: {  	s21 =	simm.s32 $0x2;
	s22 =	simm.s32 $0x4800;
	s23 =	simm.s32 $0x6400  }
0x8: {  	s24 =	simm.s32 $0x3;
	s25 =	simm.s32 $0x4;
	s26 =	simm.s32 $0x0  }
0x9: {  	s7 =	sand.u32 $0x1, s4;
	s30 =	sshll.u32 s1, $0x1;
	[smem:$0x7FF] =	sst s3  }
0xa: {  	s4 =	sadd.s32 $0x1000, s6;
	s5 =	sadd.s32 $0xE00, s6;
	s8 =	sor.u32 s7, s30  }
0xb: {  	s10 =	sadd.s32 $0x3200, s6;
	s7 =	ssub.s32 $0x2, s7;
	s9 =	smul.u32 $0x3000, s8  }
0xc: {  	v0 =	vlaneseq.u32;
	_ =	strace $0x80000047;
	s8 =	sshll.u32 s8, $0x8;
	s11 =	sshrl.u32 s7, $0x1  }
0xd: {  	v0 =	vmul.u32 $0x6, v0;
	s12 =	sadd.s32 s8, s6;
	s13 =	ssub.s32 s7, s11;
	s9 =	sshrl.u32 s9, $0x3  }
0xe: {  	v6 =	vimm.s32 $0x0;
	v7 =	vimm.s32 $0x40;
	s11 =	sadd.s32 $0x1280, s12;
	s31 =	sadd.s32 $0x300, s9;
	s6 =	sadd.s32 s0, s9  }
0xf: {  	v8 =	vimm.s32 $0x80;
	v1 =	vor.u32 $0x1, v0;
	v2 =	vadd.s32 $0x2, v0;
	s8 =	sadd.s32 s10, s9;
	s9 =	sadd.s32 $0x1200, s12;
	s12 =	smax.u32 s13, $0x1  }
0x10: {  	v3 =	vadd.s32 $0x3, v0;
	v4 =	vadd.s32 $0x4, v0;
	v5 =	vadd.s32 $0x5, v0;
	s13 =	simm.s32 $0x1800;
	s7 =	sadd.s32 s0, s31;
	s10 =	sadd.s32 s10, s31  }
.LBB2_1:
0x11: {  	[tilespmem:s3], [sflag:$0x1] =	stream.linear.gather [hbm4b:s6+s3], $0x1800, $0x38;
	[tilespmem:$0x6B00] =	vst v63  }
0x12: {  	_ = 	snop  }
0x13: {  	[tilespmem:s13], [sflag:$0x2] =	stream.linear.gather [hbm4b:s7+s3], $0x1800, $0x38;
	[tilespmem:$0x6B00] =	vst v63  }
0x14: {  	_ = 	snop  }
0x15: {  	[tilespmem:s14], [sflag:$0x5] =	stream.linear.gather [hbm4b:s2+s3], $0x100, $0x38;
	[tilespmem:$0x6B00] =	vst v63  }
0x16: {  	_ =	swait.ge [sflag:s15], $0x100  }
0x17: {  	[sflag:s15] =	ssyncset.done $0x0  }
0x18: {  	[sflag:s15] =	ssyncadd.s32 $0xFFFFFF00  }
0x19: {  	[tilespmem:s16], [sflag:$0x5] =	stream.linear.gather [hbm4b:s4+s3], $0x100, $0x38;
	[tilespmem:$0x6B00] =	vst v63  }
0x1a: {  	_ =	swait.ge [sflag:s15], $0x100  }
0x1b: {  	[sflag:s15] =	ssyncset.done $0x0  }
0x1c: {  	[sflag:s15] =	ssyncadd.s32 $0xFFFFFF00  }
0x1d: {  	[tilespmem:s17], [sflag:$0x5] =	stream.linear.gather [hbm4b:s5+s3], $0x100, $0x38;
	[tilespmem:$0x6B00] =	vst v63  }
0x1e: {  	_ =	swait.ge [sflag:s15], $0x100  }
0x1f: {  	v10 =	vadd.s32 s3, v0;
	[sflag:s15] =	ssyncset.done $0x0  }
0x20: {  	[sflag:s15] =	ssyncadd.s32 $0xFFFFFF00  }
0x21: {  	v15 =	vadd.s32 s3, v1;
	_ =	swait.ge [sflag:s18], $0x1800  }
0x22: {  	[sflag:s18] =	ssyncset.done $0x0  }
0x23: {  	[sflag:s18] =	ssyncadd.s32 $0xFFFFE800  }
0x24: {  	v12 =	vld.idx.msk [tilespmem:v10+s3+$0x0], $0xffff;
	_ =	sdelay $0x1  }
0x25: {  	v13 =	vld.idx.msk [tilespmem:v15+s3+$0x0], $0xffff;
	_ =	sdelay $0x1  }
0x26: {  	v11 =	vadd.s32 s3, v2;
	v9 =	vadd.s32 s3, v3  }
0x27: {  	vm1 =	vgt.f32 v12, $-1.422951340e+00;
	vm2 =	vgt.f32 v12, $-7.924895880e-01;
	vm0 =	vgt.f32 v12, $1.135560630e+00  }
0x28: {  	vm3 =	vgt.f32 v12, $-4.372779130e-01;
	vm4 =	vgt.f32 v12, $-1.436953540e-01;
	vm5 =	vgt.f32 v12, $1.498872040e-01  }
0x29: {  	vm6 =	vgt.f32 v13, $-7.924895880e-01;
	vm13 =	vgt.f32 v13, $-1.436953540e-01;
	v14 =	vsel vm1, $0x8, v6  }
0x2a: {  	vm1 =	vgt.f32 v12, $5.050989390e-01;
	v17 =	vsel vm6, $0x1, v6;
	v16 =	vadd.s32 $0x8, v14  }
0x2b: {  	v19 =	vsel vm13, $0x1, v6;
	v12 =	vsel vm2, v16, v14;
	vm2 =	vgt.f32 v13, $-1.422951340e+00  }
0x2c: {  	v14 =	vadd.s32 $0x8, v12;
	v16 =	vsel vm2, $0x1, v6;
	vm2 =	vgt.f32 v13, $-4.372779130e-01  }
0x2d: {  	v18 =	vld.idx.msk [tilespmem:v11+s3+$0x0], $0xffff;
	v16 =	vadd.s32 v16, v17;
	v12 =	vsel vm3, v14, v12;
	v14 =	vsel vm2, $0x1, v6  }
0x2e: {  	vm2 =	vgt.f32 v13, $1.498872040e-01;
	v17 =	vadd.s32 $0x8, v12;
	v14 =	vadd.s32 v14, v16  }
0x2f: {  	v16 =	vsel vm2, $0x1, v6;
	v12 =	vsel vm4, v17, v12;
	v14 =	vadd.s32 v19, v14  }
0x30: {  	vm2 =	vgt.f32 v13, $5.050989390e-01;
	v17 =	vadd.s32 $0x8, v12;
	v14 =	vadd.s32 v16, v14  }
0x31: {  	v16 =	vsel vm2, $0x1, v6;
	vm2 =	vgt.f32 v13, $1.135560630e+00;
	v12 =	vsel vm5, v17, v12  }
0x32: {  	vm15 =	vgt.f32 v18, $1.498872040e-01;
	v17 =	vsel vm2, $0x1, v6;
	v13 =	vadd.s32 $0x8, v12  }
0x33: {  	vm2 =	vgt.f32 v18, $-1.422951340e+00;
	v14 =	vadd.s32 v16, v14;
	v16 =	vld.idx.msk [tilespmem:v9+s3+$0x0], $0xffff;
	v12 =	vsel vm1, v13, v12  }
0x34: {  	v14 =	vadd.s32 v17, v14;
	v13 =	vsel vm2, $0x48, v7;
	v19 =	vadd.s32 $0x8, v12  }
0x35: {  	vm1 =	vgt.f32 v18, $-7.924895880e-01;
	v20 =	vadd.s32 $0x8, v13;
	v12 =	vsel vm0, v19, v12  }
0x36: {  	v17 =	vsel vm1, v20, v13;
	vm0 =	vgt.f32 v18, $-4.372779130e-01;
	v13 =	vadd.s32 s3, v5  }
0x37: {  	vm1 =	vgt.f32 v18, $5.050989390e-01;
	v12 =	vadd.s32 v12, v14;
	v19 =	vadd.s32 $0x8, v17  }
0x38: {  	v14 =	vadd.s32 s3, v4;
	vm2 =	vgt.f32 v16, $-1.422951340e+00;
	vm3 =	vgt.f32 v16, $-7.924895880e-01  }
0x39: {  	vm14 =	vgt.f32 v16, $1.135560630e+00;
	v17 =	vsel vm0, v19, v17;
	vm0 =	vgt.f32 v18, $-1.436953540e-01  }
0x3a: {  	v20 =	vsel vm2, $0x1, v6;
	vm2 =	vgt.f32 v16, $5.050989390e-01;
	v19 =	vadd.s32 $0x8, v17  }
0x3b: {  	v61 =	vsel vm2, $0x1, v6;
	v17 =	vsel vm0, v19, v17;
	v19 =	vsel vm3, $0x1, v6  }
0x3c: {  	vm0 =	vgt.f32 v16, $-4.372779130e-01;
	v21 =	vadd.s32 $0x8, v17;
	v19 =	vadd.s32 v20, v19;
	v20 =	vld.idx.msk [tilespmem:v12+s16+$0x0], $0xffff  }
0x3d: {  	v22 =	vsel vm0, $0x1, v6;
	vm0 =	vgt.f32 v16, $-1.436953540e-01;
	v59 =	vld.idx.msk [tilespmem:v13+s3+$0x0], $0xffff;
	v21 =	vsel vm15, v21, v17  }
0x3e: {  	v19 =	vadd.s32 v22, v19;
	v24 =	vsel vm0, $0x1, v6;
	vm0 =	vgt.f32 v16, $1.498872040e-01;
	v17 =	vld.idx.msk [tilespmem:v14+s3+$0x0], $0xffff  }
0x3f: {  	v23 =	vadd.s32 $0x8, v21;
	v60 =	vsel vm0, $0x1, v6;
	v19 =	vadd.s32 v24, v19  }
0x40: {  	vm0 =	vgt.f32 v18, $1.135560630e+00;
	v16 =	vsel vm1, v23, v21;
	v19 =	vadd.s32 v60, v19  }
0x41: {  	v18 =	vsel vm14, $0x1, v6;
	v23 =	vadd.s32 $0x8, v16;
	v19 =	vadd.s32 v61, v19;
	[tilespmem:v10+s19+$0x0] =	vst.idx.msk $0xffff, v20  }
0x42: {  	vm1 =	vgt.f32 v59, $-2.551464440e-01;
	v10 =	vsel vm0, v23, v16;
	v16 =	vadd.s32 v18, v19;
	v18 =	vld.idx.msk [tilespmem:v12+s17+$0x0], $0xffff  }
0x43: {  	vm3 =	vgt.f32 v59, $2.551464440e-01;
	vm2 =	vgt.f32 v17, $-1.298920630e+00;
	v16 =	vadd.s32 v10, v16  }
0x44: {  	vm0 =	vgt.f32 v59, $-9.712446920e-01;
	v20 =	vsel vm1, $0x1, v6;
	v19 =	vsel vm2, $0x85, v8  }
0x45: {  	v10 =	vsel vm0, $0x1, v6;
	vm0 =	vgt.f32 v17, $-6.256977320e-01;
	v62 =	vadd.s32 $0x5, v19  }
0x46: {  	v63 =	vsel vm3, $0x1, v6;
	vm1 =	vgt.f32 v17, $-2.025244390e-01;
	v19 =	vsel vm0, v62, v19  }
0x47: {  	s29 =	simm.s32 $0x60;
	v10 =	vadd.s32 v10, v20;
	vm0 =	vgt.f32 v59, $9.712446920e-01;
	v20 =	vadd.s32 $0x5, v19;
	[tilespmem:v15+s19+$0x0] =	vst.idx.msk $0xffff, v18  }
0x48: {  	s31 =	simm.s32 $0xC0;
	s28 =	simm.s32 $0x6000;
	s30 =	simm.s32 $0x6000;
	v19 =	vsel vm1, v20, v19;
	v15 =	vadd.s32 v63, v10;
	v10 =	vadd.s32 s29, v0;
	v18 =	vld.idx.msk [tilespmem:v16+s16+$0x0], $0xffff  }
.LBB2_2:
0x49: {  	p0 =	sne.s32 s31, $0x17A0  }
0x4a: {  	s28 =	sadd.s32 $0x10, s28;
	s0 =	smov.u32 s31;
	s31 =	sadd.s32 $0x60, s31  }
0x4b: {  	_ = 	snop  }
0x4c: {  	vm1 =	vgt.f32 v17, $2.206488700e-01;
	v20 =	vadd.s32 $0x5, v19  }
0x4d: {  	[tilespmem:v11+s19+$0x0] =	vst.idx.msk $0xffff, v18;
	v11 =	vsel vm1, v20, v19  }
0x4e: {  	vm1 =	vgt.f32 v17, $8.938717840e-01;
	v19 =	vsel vm0, $0x1, v6;
	v18 =	vld.idx.msk [tilespmem:v16+s17+$0x0], $0xffff;
	v17 =	vadd.s32 $0x5, v11  }
0x4f: {  	v15 =	vadd.s32 v19, v15;
	v11 =	vsel vm1, v17, v11  }
0x50: {  	v11 =	vadd.s32 v11, v15;
	_ =	sdelay $0x3  }
0x51: {  	[tilespmem:v9+s19+$0x0] =	vst.idx.msk $0xffff, v18  }
0x52: {  	v9 =	vld.idx.msk [tilespmem:v11+s16+$0x0], $0xffff;
	_ =	sdelay $0x5  }
0x53: {  	[tilespmem:v14+s19+$0x0] =	vst.idx.msk $0xffff, v9  }
0x54: {  	v9 =	vld.idx.msk [tilespmem:v11+s17+$0x0], $0xffff;
	_ =	sdelay $0x5  }
0x55: {  	[tilespmem:v13+s19+$0x0] =	vst.idx.msk $0xffff, v9  }
0x56: {  	v9 =	vld.idx.msk [tilespmem:v12+s14+$0x0], $0xffff  }
0x57: {  	v12 =	vld.idx.msk [tilespmem:v16+s14+$0x0], $0xffff  }
0x58: {  	v13 =	vld.idx.msk [tilespmem:v11+s14+$0x0], $0xffff;
	_ =	sdelay $0x3  }
0x59: {  	v11 =	vadd.s32 s29, v2  }
0x5a: {  	v9 =	vadd.s32 v9, v12  }
0x5b: {  	v15 =	vadd.s32 s29, v1;
	v9 =	vadd.s32 v13, v9  }
0x5c: {  	[tilespmem:s30+$0x0] =	vst v9;
	s30 =	smov.u32 s28  }
0x5d: {  	v12 =	vld.idx.msk [tilespmem:v10+s3+$0x0], $0xffff  }
0x5e: {  	v16 =	vld.idx.msk [tilespmem:v11+s3+$0x0], $0xffff;
	_ =	sdelay $0x1  }
0x5f: {  	v13 =	vld.idx.msk [tilespmem:v15+s3+$0x0], $0xffff;
	_ =	sdelay $0x1  }
0x60: {  	v9 =	vadd.s32 s29, v3  }
0x61: {  	vm1 =	vgt.f32 v12, $-1.422951340e+00;
	vm2 =	vgt.f32 v12, $-7.924895880e-01;
	vm0 =	vgt.f32 v12, $1.135560630e+00  }
0x62: {  	vm3 =	vgt.f32 v12, $-4.372779130e-01;
	v14 =	vsel vm1, $0x8, v6;
	vm1 =	vgt.f32 v12, $5.050989390e-01  }
0x63: {  	vm4 =	vgt.f32 v12, $-1.436953540e-01;
	vm5 =	vgt.f32 v12, $1.498872040e-01;
	v17 =	vadd.s32 $0x8, v14  }
0x64: {  	v12 =	vsel vm2, v17, v14;
	vm2 =	vgt.f32 v13, $-1.422951340e+00;
	vm6 =	vgt.f32 v13, $-7.924895880e-01  }
0x65: {  	v14 =	vadd.s32 $0x8, v12;
	v17 =	vsel vm2, $0x1, v6;
	v18 =	vsel vm6, $0x1, v6  }
0x66: {  	vm2 =	vgt.f32 v13, $-4.372779130e-01;
	vm6 =	vgt.f32 v13, $-1.436953540e-01;
	v17 =	vadd.s32 v17, v18  }
0x67: {  	v12 =	vsel vm3, v14, v12;
	v14 =	vsel vm2, $0x1, v6;
	vm2 =	vgt.f32 v13, $1.498872040e-01  }
0x68: {  	v19 =	vsel vm6, $0x1, v6;
	v18 =	vadd.s32 $0x8, v12;
	v14 =	vadd.s32 v14, v17  }
0x69: {  	v17 =	vsel vm2, $0x1, v6;
	v12 =	vsel vm4, v18, v12;
	v14 =	vadd.s32 v19, v14  }
0x6a: {  	vm2 =	vgt.f32 v13, $5.050989390e-01;
	v18 =	vadd.s32 $0x8, v12;
	v14 =	vadd.s32 v17, v14  }
0x6b: {  	v17 =	vsel vm2, $0x1, v6;
	vm2 =	vgt.f32 v13, $1.135560630e+00;
	v12 =	vsel vm5, v18, v12  }
0x6c: {  	v18 =	vsel vm2, $0x1, v6;
	v14 =	vadd.s32 v17, v14;
	v13 =	vadd.s32 $0x8, v12  }
0x6d: {  	v12 =	vsel vm1, v13, v12;
	v13 =	vadd.s32 v18, v14;
	vm1 =	vgt.f32 v16, $-1.422951340e+00  }
0x6e: {  	v14 =	vadd.s32 $0x8, v12;
	v18 =	vsel vm1, $0x48, v7;
	v17 =	vld.idx.msk [tilespmem:v9+s3+$0x0], $0xffff  }
0x6f: {  	v12 =	vsel vm0, v14, v12;
	vm0 =	vgt.f32 v16, $-7.924895880e-01;
	v14 =	vadd.s32 $0x8, v18  }
0x70: {  	v12 =	vadd.s32 v12, v13;
	v18 =	vsel vm0, v14, v18  }
0x71: {  	vm0 =	vgt.f32 v16, $-4.372779130e-01;
	v19 =	vadd.s32 $0x8, v18  }
0x72: {  	v14 =	vadd.s32 s29, v4;
	v13 =	vadd.s32 s29, v5;
	s29 =	smov.u32 s0;
	v18 =	vsel vm0, v19, v18  }
0x73: {  	vm2 =	vgt.f32 v16, $5.050989390e-01;
	vm1 =	vgt.f32 v16, $-1.436953540e-01;
	v19 =	vadd.s32 $0x8, v18  }
0x74: {  	vm3 =	vgt.f32 v17, $-1.422951340e+00;
	vm4 =	vgt.f32 v17, $-7.924895880e-01;
	vm0 =	vgt.f32 v17, $1.135560630e+00  }
0x75: {  	vm5 =	vgt.f32 v16, $1.498872040e-01;
	v21 =	vsel vm3, $0x1, v6;
	vm3 =	vgt.f32 v17, $5.050989390e-01;
	v20 =	vld.idx.msk [tilespmem:v12+s16+$0x0], $0xffff  }
0x76: {  	v18 =	vsel vm1, v19, v18;
	vm1 =	vgt.f32 v17, $-4.372779130e-01;
	v19 =	vsel vm4, $0x1, v6  }
0x77: {  	v22 =	vadd.s32 $0x8, v18;
	v23 =	vsel vm1, $0x1, v6;
	v19 =	vadd.s32 v21, v19  }
0x78: {  	v18 =	vsel vm5, v22, v18;
	vm1 =	vgt.f32 v17, $-1.436953540e-01;
	v19 =	vadd.s32 v23, v19  }
0x79: {  	v22 =	vadd.s32 $0x8, v18;
	v23 =	vsel vm1, $0x1, v6;
	vm1 =	vgt.f32 v17, $1.498872040e-01;
	v21 =	vld.idx.msk [tilespmem:v13+s3+$0x0], $0xffff  }
0x7a: {  	v18 =	vsel vm2, v22, v18;
	v22 =	vsel vm1, $0x1, v6;
	v19 =	vadd.s32 v23, v19;
	v17 =	vld.idx.msk [tilespmem:v14+s3+$0x0], $0xffff  }
0x7b: {  	v19 =	vadd.s32 v22, v19;
	[tilespmem:v10+s19+$0x0] =	vst.idx.msk $0xffff, v20;
	v10 =	vadd.s32 $0x8, v18;
	v20 =	vsel vm3, $0x1, v6  }
0x7c: {  	vm1 =	vgt.f32 v16, $1.135560630e+00;
	v16 =	vsel vm0, $0x1, v6;
	v22 =	vld.idx.msk [tilespmem:v12+s17+$0x0], $0xffff;
	v19 =	vadd.s32 v20, v19  }
0x7d: {  	v10 =	vsel vm1, v10, v18;
	v16 =	vadd.s32 v16, v19  }
0x7e: {  	v16 =	vadd.s32 v10, v16  }
0x7f: {  	vm0 =	vgt.f32 v21, $-9.712446920e-01;
	vm1 =	vgt.f32 v21, $-2.551464440e-01;
	vm2 =	vgt.f32 v21, $2.551464440e-01  }
0x80: {  	vm3 =	vgt.f32 v17, $-1.298920630e+00;
	v10 =	vsel vm0, $0x1, v6;
	v18 =	vsel vm1, $0x1, v6  }
.Ltmp0:
0x81: {  	v20 =	vsel vm2, $0x1, v6;
	v19 =	vsel vm3, $0x85, v8;
	v10 =	vadd.s32 v10, v18;
	(pc) =	sbr.rel @p0 .LBB2_2-.Ltmp0, $4  }
0x82: {  	vm0 =	vgt.f32 v17, $-6.256977320e-01;
	[tilespmem:v15+s19+$0x0] =	vst.idx.msk $0xffff, v22;
	v22 =	vadd.s32 $0x5, v19;
	v15 =	vadd.s32 v20, v10  }
0x83: {  	v18 =	vld.idx.msk [tilespmem:v16+s16+$0x0], $0xffff;
	v19 =	vsel vm0, v22, v19;
	vm0 =	vgt.f32 v21, $9.712446920e-01  }
0x84: {  	vm1 =	vgt.f32 v17, $-2.025244390e-01;
	v10 =	vadd.s32 s29, v0;
	v20 =	vadd.s32 $0x5, v19  }
0x85: {  	v19 =	vsel vm1, v20, v19  }
0x86: {  	_ =	sdelay $0x1  }
0x87: {  	vm1 =	vgt.f32 v17, $2.206488700e-01;
	v20 =	vadd.s32 $0x5, v19  }
0x88: {  	v19 =	vsel vm1, v20, v19  }
0x89: {  	vm1 =	vgt.f32 v17, $8.938717840e-01;
	v17 =	vsel vm0, $0x1, v6;
	[tilespmem:v11+s19+$0x0] =	vst.idx.msk $0xffff, v18;
	v11 =	vadd.s32 $0x5, v19  }
0x8a: {  	v15 =	vadd.s32 v17, v15;
	v18 =	vld.idx.msk [tilespmem:v16+s17+$0x0], $0xffff;
	v11 =	vsel vm1, v11, v19  }
0x8b: {  	v11 =	vadd.s32 v11, v15;
	_ =	sdelay $0x3  }
0x8c: {  	[tilespmem:v9+s19+$0x0] =	vst.idx.msk $0xffff, v18  }
0x8d: {  	v9 =	vld.idx.msk [tilespmem:v11+s16+$0x0], $0xffff;
	_ =	sdelay $0x4  }
0x8e: {  	[tilespmem:v14+s19+$0x0] =	vst.idx.msk $0xffff, v9  }
0x8f: {  	v9 =	vld.idx.msk [tilespmem:v11+s17+$0x0], $0xffff;
	_ =	sdelay $0x4  }
0x90: {  	[tilespmem:v13+s19+$0x0] =	vst.idx.msk $0xffff, v9  }
0x91: {  	v9 =	vld.idx.msk [tilespmem:v12+s14+$0x0], $0xffff  }
0x92: {  	v12 =	vld.idx.msk [tilespmem:v16+s14+$0x0], $0xffff  }
0x93: {  	v11 =	vld.idx.msk [tilespmem:v11+s14+$0x0], $0xffff;
	_ =	sdelay $0x3  }
0x94: {  	v9 =	vadd.s32 v9, v12  }
0x95: {  	v12 =	vadd.s32 s29, v1;
	v9 =	vadd.s32 v11, v9  }
0x96: {  	[tilespmem:s30+$0x0] =	vst v9  }
0x97: {  	v9 =	vld.idx.msk [tilespmem:v10+s3+$0x0], $0xffff;
	_ =	sdelay $0x2  }
0x98: {  	v11 =	vld.idx.msk [tilespmem:v12+s3+$0x0], $0xffff  }
0x99: {  	v14 =	vadd.s32 s29, v3;
	v13 =	vadd.s32 s29, v2  }
0x9a: {  	vm1 =	vgt.f32 v9, $-1.422951340e+00;
	vm2 =	vgt.f32 v9, $-7.924895880e-01;
	vm0 =	vgt.f32 v9, $1.135560630e+00  }
0x9b: {  	vm3 =	vgt.f32 v9, $-4.372779130e-01;
	vm4 =	vgt.f32 v9, $-1.436953540e-01;
	v15 =	vsel vm1, $0x8, v6  }
0x9c: {  	vm5 =	vgt.f32 v9, $1.498872040e-01;
	vm1 =	vgt.f32 v9, $5.050989390e-01;
	v16 =	vadd.s32 $0x8, v15  }
0x9d: {  	vm6 =	vgt.f32 v11, $-7.924895880e-01;
	vm15 =	vgt.f32 v11, $-1.436953540e-01;
	v9 =	vsel vm2, v16, v15  }
0x9e: {  	vm2 =	vgt.f32 v11, $-1.422951340e+00;
	v17 =	vsel vm6, $0x1, v6;
	v19 =	vsel vm15, $0x1, v6  }
0x9f: {  	v15 =	vadd.s32 $0x8, v9;
	v16 =	vsel vm2, $0x1, v6;
	vm2 =	vgt.f32 v11, $-4.372779130e-01  }
0xa0: {  	v16 =	vadd.s32 v16, v17;
	v9 =	vsel vm3, v15, v9;
	v15 =	vsel vm2, $0x1, v6  }
0xa1: {  	v17 =	vld.idx.msk [tilespmem:v13+s3+$0x0], $0xffff;
	vm2 =	vgt.f32 v11, $1.498872040e-01;
	v18 =	vadd.s32 $0x8, v9;
	v15 =	vadd.s32 v15, v16  }
0xa2: {  	v16 =	vsel vm2, $0x1, v6;
	v9 =	vsel vm4, v18, v9;
	v15 =	vadd.s32 v19, v15  }
0xa3: {  	vm2 =	vgt.f32 v11, $5.050989390e-01;
	v18 =	vadd.s32 $0x8, v9;
	v15 =	vadd.s32 v16, v15  }
0xa4: {  	v16 =	vsel vm2, $0x1, v6;
	vm2 =	vgt.f32 v11, $1.135560630e+00;
	v9 =	vsel vm5, v18, v9  }
0xa5: {  	v18 =	vsel vm2, $0x1, v6;
	v15 =	vadd.s32 v16, v15;
	v11 =	vadd.s32 $0x8, v9  }
0xa6: {  	v16 =	vld.idx.msk [tilespmem:v14+s3+$0x0], $0xffff;
	vm2 =	vgt.f32 v17, $-1.422951340e+00;
	v15 =	vadd.s32 v18, v15;
	v18 =	vadd.s32 s29, v4  }
0xa7: {  	vm9 =	vgt.f32 v17, $1.498872040e-01;
	v9 =	vsel vm1, v11, v9;
	v11 =	vsel vm2, $0x48, v7  }
0xa8: {  	vm1 =	vgt.f32 v17, $-7.924895880e-01;
	v19 =	vadd.s32 $0x8, v9;
	v20 =	vadd.s32 $0x8, v11  }
0xa9: {  	v9 =	vsel vm0, v19, v9;
	v11 =	vsel vm1, v20, v11;
	vm0 =	vgt.f32 v17, $-4.372779130e-01  }
0xaa: {  	v19 =	vadd.s32 s29, v5;
	vm1 =	vgt.f32 v17, $5.050989390e-01;
	v9 =	vadd.s32 v9, v15  }
0xab: {  	v15 =	vadd.s32 $0x8, v11;
	vm2 =	vgt.f32 v16, $-1.422951340e+00;
	vm3 =	vgt.f32 v16, $-7.924895880e-01  }
0xac: {  	vm8 =	vgt.f32 v16, $1.135560630e+00;
	v11 =	vsel vm0, v15, v11;
	vm0 =	vgt.f32 v17, $-1.436953540e-01  }
0xad: {  	v20 =	vsel vm2, $0x1, v6;
	vm2 =	vgt.f32 v16, $5.050989390e-01;
	v15 =	vadd.s32 $0x8, v11  }
0xae: {  	v11 =	vsel vm0, v15, v11;
	v15 =	vsel vm3, $0x1, v6;
	vm0 =	vgt.f32 v16, $-4.372779130e-01  }
0xaf: {  	v22 =	vadd.s32 $0x8, v11;
	v23 =	vsel vm0, $0x1, v6;
	v15 =	vadd.s32 v20, v15;
	v21 =	vld.idx.msk [tilespmem:v9+s16+$0x0], $0xffff  }
0xb0: {  	vm0 =	vgt.f32 v16, $-1.436953540e-01;
	v11 =	vsel vm9, v22, v11;
	v15 =	vadd.s32 v23, v15  }
0xb1: {  	v52 =	vsel vm0, $0x1, v6;
	vm0 =	vgt.f32 v16, $1.498872040e-01;
	v20 =	vadd.s32 $0x8, v11  }
0xb2: {  	v15 =	vadd.s32 v52, v15;
	v11 =	vsel vm1, v20, v11;
	v20 =	vsel vm0, $0x1, v6  }
0xb3: {  	v53 =	vld.idx.msk [tilespmem:v18+s3+$0x0], $0xffff;
	vm0 =	vgt.f32 v17, $1.135560630e+00;
	v15 =	vadd.s32 v20, v15;
	v20 =	vsel vm2, $0x1, v6  }
0xb4: {  	v16 =	vld.idx.msk [tilespmem:v19+s3+$0x0], $0xffff;
	v54 =	vadd.s32 $0x8, v11;
	v15 =	vadd.s32 v20, v15;
	[tilespmem:v10+s19+$0x0] =	vst.idx.msk $0xffff, v21;
	v10 =	vsel vm8, $0x1, v6  }
0xb5: {  	v11 =	vsel vm0, v54, v11;
	v17 =	vld.idx.msk [tilespmem:v9+s17+$0x0], $0xffff;
	v10 =	vadd.s32 v10, v15  }
0xb6: {  	v10 =	vadd.s32 v11, v10;
	_ =	sdelay $0x1  }
0xb7: {  	vm0 =	vgt.f32 v53, $-1.298920630e+00  }
0xb8: {  	v11 =	vsel vm0, $0x85, v8  }
0xb9: {  	vm1 =	vgt.f32 v53, $-6.256977320e-01;
	vm2 =	vgt.f32 v16, $-2.551464440e-01;
	[tilespmem:v12+s19+$0x0] =	vst.idx.msk $0xffff, v17;
	v12 =	vadd.s32 $0x5, v11  }
0xba: {  	vm3 =	vgt.f32 v16, $2.551464440e-01;
	vm0 =	vgt.f32 v16, $-9.712446920e-01;
	v15 =	vld.idx.msk [tilespmem:v10+s16+$0x0], $0xffff;
	v11 =	vsel vm1, v12, v11  }
0xbb: {  	v12 =	vsel vm0, $0x1, v6;
	vm0 =	vgt.f32 v53, $-2.025244390e-01;
	v17 =	vadd.s32 $0x5, v11  }
0xbc: {  	v20 =	vsel vm2, $0x1, v6;
	v55 =	vsel vm3, $0x1, v6;
	v11 =	vsel vm0, v17, v11  }
0xbd: {  	v12 =	vadd.s32 v12, v20;
	vm0 =	vgt.f32 v53, $2.206488700e-01;
	v17 =	vadd.s32 $0x5, v11  }
0xbe: {  	vm1 =	vgt.f32 v16, $9.712446920e-01;
	v12 =	vadd.s32 v55, v12;
	v11 =	vsel vm0, v17, v11  }
0xbf: {  	vm0 =	vgt.f32 v53, $8.938717840e-01;
	[tilespmem:v13+s19+$0x0] =	vst.idx.msk $0xffff, v15;
	v13 =	vadd.s32 $0x5, v11;
	v15 =	vsel vm1, $0x1, v6  }
0xc0: {  	v16 =	vld.idx.msk [tilespmem:v10+s17+$0x0], $0xffff;
	v11 =	vsel vm0, v13, v11;
	v12 =	vadd.s32 v15, v12  }
0xc1: {  	v11 =	vadd.s32 v11, v12;
	_ =	sdelay $0x3  }
0xc2: {  	[tilespmem:v14+s19+$0x0] =	vst.idx.msk $0xffff, v16  }
0xc3: {  	v12 =	vld.idx.msk [tilespmem:v11+s16+$0x0], $0xffff;
	_ =	sdelay $0x4  }
0xc4: {  	[tilespmem:v18+s19+$0x0] =	vst.idx.msk $0xffff, v12  }
0xc5: {  	v12 =	vld.idx.msk [tilespmem:v11+s17+$0x0], $0xffff;
	_ =	sdelay $0x4  }
0xc6: {  	[tilespmem:v19+s19+$0x0] =	vst.idx.msk $0xffff, v12  }
0xc7: {  	v9 =	vld.idx.msk [tilespmem:v9+s14+$0x0], $0xffff  }
0xc8: {  	v10 =	vld.idx.msk [tilespmem:v10+s14+$0x0], $0xffff  }
0xc9: {  	v11 =	vld.idx.msk [tilespmem:v11+s14+$0x0], $0xffff;
	_ =	sdelay $0x3  }
0xca: {  	v9 =	vadd.s32 v9, v10  }
0xcb: {  	s0 =	sadd.s32 $0x10, s28;
	v9 =	vadd.s32 v11, v9  }
0xcc: {  	[tilespmem:s0+$0x0] =	vst v9;
	s0 =	simm.s32 $0x1800  }
0xcd: {  	[hbm4b:s8+s3] =	stream.linear.scatter [tilespmem:s19], [sflag:$0x3], $0x1800, $0x38;
	[tilespmem:$0x6B00] =	vst v63  }
0xce: {  	v10 =	vadd.s32 s0, v0  }
0xcf: {  	[hbm4b:s9+s3] =	stream.linear.scatter [tilespmem:s20], [sflag:$0x4], $0x400, $0x38;
	[tilespmem:$0x6B00] =	vst v63  }
0xd0: {  	v15 =	vadd.s32 s0, v1;
	_ =	swait.ge [sflag:s21], $0x1800  }
0xd1: {  	[sflag:s21] =	ssyncset.done $0x0  }
0xd2: {  	[sflag:s21] =	ssyncadd.s32 $0xFFFFE800  }
0xd3: {  	v12 =	vld.idx.msk [tilespmem:v10+s3+$0x0], $0xffff;
	_ =	sdelay $0x1  }
0xd4: {  	v13 =	vld.idx.msk [tilespmem:v15+s3+$0x0], $0xffff;
	_ =	sdelay $0x1  }
0xd5: {  	v11 =	vadd.s32 s0, v2;
	v9 =	vadd.s32 s0, v3  }
0xd6: {  	vm1 =	vgt.f32 v12, $-1.422951340e+00;
	vm2 =	vgt.f32 v12, $-7.924895880e-01;
	vm0 =	vgt.f32 v12, $1.135560630e+00  }
0xd7: {  	vm3 =	vgt.f32 v12, $-4.372779130e-01;
	vm10 =	vgt.f32 v12, $-1.436953540e-01;
	vm11 =	vgt.f32 v12, $1.498872040e-01  }
0xd8: {  	vm12 =	vgt.f32 v13, $-7.924895880e-01;
	vm13 =	vgt.f32 v13, $-1.436953540e-01;
	v14 =	vsel vm1, $0x8, v6  }
0xd9: {  	vm1 =	vgt.f32 v12, $5.050989390e-01;
	v17 =	vsel vm12, $0x1, v6;
	v16 =	vadd.s32 $0x8, v14  }
0xda: {  	v19 =	vsel vm13, $0x1, v6;
	v12 =	vsel vm2, v16, v14;
	vm2 =	vgt.f32 v13, $-1.422951340e+00  }
0xdb: {  	v14 =	vadd.s32 $0x8, v12;
	v16 =	vsel vm2, $0x1, v6;
	vm2 =	vgt.f32 v13, $-4.372779130e-01  }
0xdc: {  	v18 =	vld.idx.msk [tilespmem:v11+s3+$0x0], $0xffff;
	v16 =	vadd.s32 v16, v17;
	v12 =	vsel vm3, v14, v12;
	v14 =	vsel vm2, $0x1, v6  }
0xdd: {  	vm2 =	vgt.f32 v13, $1.498872040e-01;
	v17 =	vadd.s32 $0x8, v12;
	v14 =	vadd.s32 v14, v16  }
0xde: {  	v16 =	vsel vm2, $0x1, v6;
	v12 =	vsel vm10, v17, v12;
	v14 =	vadd.s32 v19, v14  }
0xdf: {  	vm2 =	vgt.f32 v13, $5.050989390e-01;
	v17 =	vadd.s32 $0x8, v12;
	v14 =	vadd.s32 v16, v14  }
0xe0: {  	v16 =	vsel vm2, $0x1, v6;
	vm2 =	vgt.f32 v13, $1.135560630e+00;
	v12 =	vsel vm11, v17, v12  }
0xe1: {  	vm15 =	vgt.f32 v18, $1.498872040e-01;
	v17 =	vsel vm2, $0x1, v6;
	v13 =	vadd.s32 $0x8, v12  }
0xe2: {  	vm2 =	vgt.f32 v18, $-1.422951340e+00;
	v14 =	vadd.s32 v16, v14;
	v16 =	vld.idx.msk [tilespmem:v9+s3+$0x0], $0xffff;
	v12 =	vsel vm1, v13, v12  }
0xe3: {  	v14 =	vadd.s32 v17, v14;
	v13 =	vsel vm2, $0x48, v7;
	v19 =	vadd.s32 $0x8, v12  }
0xe4: {  	vm1 =	vgt.f32 v18, $-7.924895880e-01;
	v20 =	vadd.s32 $0x8, v13;
	v12 =	vsel vm0, v19, v12  }
0xe5: {  	v17 =	vsel vm1, v20, v13;
	vm0 =	vgt.f32 v18, $-4.372779130e-01;
	v13 =	vadd.s32 s0, v5  }
0xe6: {  	vm1 =	vgt.f32 v18, $5.050989390e-01;
	v12 =	vadd.s32 v12, v14;
	v19 =	vadd.s32 $0x8, v17  }
0xe7: {  	v14 =	vadd.s32 s0, v4;
	vm2 =	vgt.f32 v16, $-1.422951340e+00;
	vm3 =	vgt.f32 v16, $-7.924895880e-01  }
0xe8: {  	vm14 =	vgt.f32 v16, $1.135560630e+00;
	v17 =	vsel vm0, v19, v17;
	vm0 =	vgt.f32 v18, $-1.436953540e-01  }
0xe9: {  	v20 =	vsel vm2, $0x1, v6;
	vm2 =	vgt.f32 v16, $5.050989390e-01;
	v19 =	vadd.s32 $0x8, v17  }
0xea: {  	v61 =	vsel vm2, $0x1, v6;
	v17 =	vsel vm0, v19, v17;
	v19 =	vsel vm3, $0x1, v6  }
0xeb: {  	vm0 =	vgt.f32 v16, $-4.372779130e-01;
	v56 =	vadd.s32 $0x8, v17;
	v19 =	vadd.s32 v20, v19;
	v20 =	vld.idx.msk [tilespmem:v12+s16+$0x0], $0xffff  }
0xec: {  	v57 =	vsel vm0, $0x1, v6;
	vm0 =	vgt.f32 v16, $-1.436953540e-01;
	v58 =	vld.idx.msk [tilespmem:v13+s3+$0x0], $0xffff;
	v21 =	vsel vm15, v56, v17  }
0xed: {  	v19 =	vadd.s32 v57, v19;
	v24 =	vsel vm0, $0x1, v6;
	vm0 =	vgt.f32 v16, $1.498872040e-01;
	v17 =	vld.idx.msk [tilespmem:v14+s3+$0x0], $0xffff  }
0xee: {  	v59 =	vadd.s32 $0x8, v21;
	v60 =	vsel vm0, $0x1, v6;
	v19 =	vadd.s32 v24, v19  }
0xef: {  	vm0 =	vgt.f32 v18, $1.135560630e+00;
	v16 =	vsel vm1, v59, v21;
	v19 =	vadd.s32 v60, v19  }
0xf0: {  	v18 =	vsel vm14, $0x1, v6;
	v23 =	vadd.s32 $0x8, v16;
	v19 =	vadd.s32 v61, v19;
	[tilespmem:v10+s19+$0x0] =	vst.idx.msk $0xffff, v20  }
0xf1: {  	vm1 =	vgt.f32 v58, $-2.551464440e-01;
	v10 =	vsel vm0, v23, v16;
	v16 =	vadd.s32 v18, v19;
	v18 =	vld.idx.msk [tilespmem:v12+s17+$0x0], $0xffff  }
0xf2: {  	vm3 =	vgt.f32 v58, $2.551464440e-01;
	vm2 =	vgt.f32 v17, $-1.298920630e+00;
	v16 =	vadd.s32 v10, v16  }
0xf3: {  	vm0 =	vgt.f32 v58, $-9.712446920e-01;
	v20 =	vsel vm1, $0x1, v6;
	v19 =	vsel vm2, $0x85, v8  }
0xf4: {  	v10 =	vsel vm0, $0x1, v6;
	vm0 =	vgt.f32 v17, $-6.256977320e-01;
	v62 =	vadd.s32 $0x5, v19  }
0xf5: {  	v63 =	vsel vm3, $0x1, v6;
	vm1 =	vgt.f32 v17, $-2.025244390e-01;
	v19 =	vsel vm0, v62, v19  }
0xf6: {  	s29 =	simm.s32 $0x1860;
	v10 =	vadd.s32 v10, v20;
	vm0 =	vgt.f32 v58, $9.712446920e-01;
	v20 =	vadd.s32 $0x5, v19;
	[tilespmem:v15+s19+$0x0] =	vst.idx.msk $0xffff, v18  }
0xf7: {  	s28 =	simm.s32 $0x6400;
	s31 =	simm.s32 $0x18C0;
	s30 =	simm.s32 $0x6400;
	v19 =	vsel vm1, v20, v19;
	v15 =	vadd.s32 v63, v10;
	v10 =	vadd.s32 s29, v0;
	v18 =	vld.idx.msk [tilespmem:v16+s16+$0x0], $0xffff  }
.LBB2_4:
0xf8: {  	p0 =	sne.s32 s31, $0x2FA0  }
0xf9: {  	s28 =	sadd.s32 $0x10, s28;
	s0 =	smov.u32 s31;
	s31 =	sadd.s32 $0x60, s31  }
0xfa: {  	_ = 	snop  }
0xfb: {  	vm1 =	vgt.f32 v17, $2.206488700e-01;
	v20 =	vadd.s32 $0x5, v19  }
0xfc: {  	[tilespmem:v11+s19+$0x0] =	vst.idx.msk $0xffff, v18;
	v11 =	vsel vm1, v20, v19  }
0xfd: {  	vm1 =	vgt.f32 v17, $8.938717840e-01;
	v19 =	vsel vm0, $0x1, v6;
	v18 =	vld.idx.msk [tilespmem:v16+s17+$0x0], $0xffff;
	v17 =	vadd.s32 $0x5, v11  }
0xfe: {  	v15 =	vadd.s32 v19, v15;
	v11 =	vsel vm1, v17, v11  }
0xff: {  	v11 =	vadd.s32 v11, v15;
	_ =	sdelay $0x3  }
0x100: {  	[tilespmem:v9+s19+$0x0] =	vst.idx.msk $0xffff, v18  }
0x101: {  	v9 =	vld.idx.msk [tilespmem:v11+s16+$0x0], $0xffff;
	_ =	sdelay $0x5  }
0x102: {  	[tilespmem:v14+s19+$0x0] =	vst.idx.msk $0xffff, v9  }
0x103: {  	v9 =	vld.idx.msk [tilespmem:v11+s17+$0x0], $0xffff;
	_ =	sdelay $0x5  }
0x104: {  	[tilespmem:v13+s19+$0x0] =	vst.idx.msk $0xffff, v9  }
0x105: {  	v9 =	vld.idx.msk [tilespmem:v12+s14+$0x0], $0xffff  }
0x106: {  	v12 =	vld.idx.msk [tilespmem:v16+s14+$0x0], $0xffff  }
0x107: {  	v13 =	vld.idx.msk [tilespmem:v11+s14+$0x0], $0xffff;
	_ =	sdelay $0x3  }
0x108: {  	v11 =	vadd.s32 s29, v2  }
0x109: {  	v9 =	vadd.s32 v9, v12  }
0x10a: {  	v15 =	vadd.s32 s29, v1;
	v9 =	vadd.s32 v13, v9  }
0x10b: {  	[tilespmem:s30+$0x0] =	vst v9;
	s30 =	smov.u32 s28  }
0x10c: {  	v12 =	vld.idx.msk [tilespmem:v10+s3+$0x0], $0xffff  }
0x10d: {  	v16 =	vld.idx.msk [tilespmem:v11+s3+$0x0], $0xffff;
	_ =	sdelay $0x1  }
0x10e: {  	v13 =	vld.idx.msk [tilespmem:v15+s3+$0x0], $0xffff;
	_ =	sdelay $0x1  }
0x10f: {  	v9 =	vadd.s32 s29, v3  }
0x110: {  	vm1 =	vgt.f32 v12, $-1.422951340e+00;
	vm2 =	vgt.f32 v12, $-7.924895880e-01;
	vm0 =	vgt.f32 v12, $1.135560630e+00  }
0x111: {  	vm3 =	vgt.f32 v12, $-4.372779130e-01;
	v14 =	vsel vm1, $0x8, v6;
	vm1 =	vgt.f32 v12, $5.050989390e-01  }
0x112: {  	vm4 =	vgt.f32 v12, $-1.436953540e-01;
	vm5 =	vgt.f32 v12, $1.498872040e-01;
	v17 =	vadd.s32 $0x8, v14  }
0x113: {  	v12 =	vsel vm2, v17, v14;
	vm2 =	vgt.f32 v13, $-1.422951340e+00;
	vm6 =	vgt.f32 v13, $-7.924895880e-01  }
0x114: {  	v14 =	vadd.s32 $0x8, v12;
	v17 =	vsel vm2, $0x1, v6;
	v18 =	vsel vm6, $0x1, v6  }
0x115: {  	vm2 =	vgt.f32 v13, $-4.372779130e-01;
	vm6 =	vgt.f32 v13, $-1.436953540e-01;
	v17 =	vadd.s32 v17, v18  }
0x116: {  	v12 =	vsel vm3, v14, v12;
	v14 =	vsel vm2, $0x1, v6;
	vm2 =	vgt.f32 v13, $1.498872040e-01  }
0x117: {  	v19 =	vsel vm6, $0x1, v6;
	v18 =	vadd.s32 $0x8, v12;
	v14 =	vadd.s32 v14, v17  }
0x118: {  	v17 =	vsel vm2, $0x1, v6;
	v12 =	vsel vm4, v18, v12;
	v14 =	vadd.s32 v19, v14  }
0x119: {  	vm2 =	vgt.f32 v13, $5.050989390e-01;
	v18 =	vadd.s32 $0x8, v12;
	v14 =	vadd.s32 v17, v14  }
0x11a: {  	v17 =	vsel vm2, $0x1, v6;
	vm2 =	vgt.f32 v13, $1.135560630e+00;
	v12 =	vsel vm5, v18, v12  }
0x11b: {  	v18 =	vsel vm2, $0x1, v6;
	v14 =	vadd.s32 v17, v14;
	v13 =	vadd.s32 $0x8, v12  }
0x11c: {  	v12 =	vsel vm1, v13, v12;
	v13 =	vadd.s32 v18, v14;
	vm1 =	vgt.f32 v16, $-1.422951340e+00  }
0x11d: {  	v14 =	vadd.s32 $0x8, v12;
	v18 =	vsel vm1, $0x48, v7;
	v17 =	vld.idx.msk [tilespmem:v9+s3+$0x0], $0xffff  }
0x11e: {  	v12 =	vsel vm0, v14, v12;
	vm0 =	vgt.f32 v16, $-7.924895880e-01;
	v14 =	vadd.s32 $0x8, v18  }
0x11f: {  	v12 =	vadd.s32 v12, v13;
	v18 =	vsel vm0, v14, v18  }
0x120: {  	vm0 =	vgt.f32 v16, $-4.372779130e-01;
	v19 =	vadd.s32 $0x8, v18  }
0x121: {  	v14 =	vadd.s32 s29, v4;
	v13 =	vadd.s32 s29, v5;
	s29 =	smov.u32 s0;
	v18 =	vsel vm0, v19, v18  }
0x122: {  	vm2 =	vgt.f32 v16, $5.050989390e-01;
	vm1 =	vgt.f32 v16, $-1.436953540e-01;
	v19 =	vadd.s32 $0x8, v18  }
0x123: {  	vm3 =	vgt.f32 v17, $-1.422951340e+00;
	vm4 =	vgt.f32 v17, $-7.924895880e-01;
	vm0 =	vgt.f32 v17, $1.135560630e+00  }
0x124: {  	vm5 =	vgt.f32 v16, $1.498872040e-01;
	v21 =	vsel vm3, $0x1, v6;
	vm3 =	vgt.f32 v17, $5.050989390e-01;
	v20 =	vld.idx.msk [tilespmem:v12+s16+$0x0], $0xffff  }
0x125: {  	v18 =	vsel vm1, v19, v18;
	vm1 =	vgt.f32 v17, $-4.372779130e-01;
	v19 =	vsel vm4, $0x1, v6  }
0x126: {  	v22 =	vadd.s32 $0x8, v18;
	v23 =	vsel vm1, $0x1, v6;
	v19 =	vadd.s32 v21, v19  }
0x127: {  	v18 =	vsel vm5, v22, v18;
	vm1 =	vgt.f32 v17, $-1.436953540e-01;
	v19 =	vadd.s32 v23, v19  }
0x128: {  	v22 =	vadd.s32 $0x8, v18;
	v23 =	vsel vm1, $0x1, v6;
	vm1 =	vgt.f32 v17, $1.498872040e-01;
	v21 =	vld.idx.msk [tilespmem:v13+s3+$0x0], $0xffff  }
0x129: {  	v18 =	vsel vm2, v22, v18;
	v22 =	vsel vm1, $0x1, v6;
	v19 =	vadd.s32 v23, v19;
	v17 =	vld.idx.msk [tilespmem:v14+s3+$0x0], $0xffff  }
0x12a: {  	v19 =	vadd.s32 v22, v19;
	[tilespmem:v10+s19+$0x0] =	vst.idx.msk $0xffff, v20;
	v10 =	vadd.s32 $0x8, v18;
	v20 =	vsel vm3, $0x1, v6  }
0x12b: {  	vm1 =	vgt.f32 v16, $1.135560630e+00;
	v16 =	vsel vm0, $0x1, v6;
	v22 =	vld.idx.msk [tilespmem:v12+s17+$0x0], $0xffff;
	v19 =	vadd.s32 v20, v19  }
0x12c: {  	v10 =	vsel vm1, v10, v18;
	v16 =	vadd.s32 v16, v19  }
0x12d: {  	v16 =	vadd.s32 v10, v16  }
0x12e: {  	vm0 =	vgt.f32 v21, $-9.712446920e-01;
	vm1 =	vgt.f32 v21, $-2.551464440e-01;
	vm2 =	vgt.f32 v21, $2.551464440e-01  }
0x12f: {  	vm3 =	vgt.f32 v17, $-1.298920630e+00;
	v10 =	vsel vm0, $0x1, v6;
	v18 =	vsel vm1, $0x1, v6  }
.Ltmp1:
0x130: {  	v20 =	vsel vm2, $0x1, v6;
	v19 =	vsel vm3, $0x85, v8;
	v10 =	vadd.s32 v10, v18;
	(pc) =	sbr.rel @p0 .LBB2_4-.Ltmp1, $4  }
0x131: {  	vm0 =	vgt.f32 v17, $-6.256977320e-01;
	[tilespmem:v15+s19+$0x0] =	vst.idx.msk $0xffff, v22;
	v22 =	vadd.s32 $0x5, v19;
	v15 =	vadd.s32 v20, v10  }
0x132: {  	v18 =	vld.idx.msk [tilespmem:v16+s16+$0x0], $0xffff;
	v19 =	vsel vm0, v22, v19;
	vm0 =	vgt.f32 v21, $9.712446920e-01  }
0x133: {  	vm1 =	vgt.f32 v17, $-2.025244390e-01;
	v10 =	vadd.s32 s29, v0;
	v20 =	vadd.s32 $0x5, v19  }
0x134: {  	v19 =	vsel vm1, v20, v19  }
0x135: {  	_ =	sdelay $0x1  }
0x136: {  	vm1 =	vgt.f32 v17, $2.206488700e-01;
	v20 =	vadd.s32 $0x5, v19  }
0x137: {  	v19 =	vsel vm1, v20, v19  }
0x138: {  	vm11 =	vgt.f32 v17, $8.938717840e-01;
	v23 =	vsel vm0, $0x1, v6;
	[tilespmem:v11+s19+$0x0] =	vst.idx.msk $0xffff, v18;
	v11 =	vadd.s32 $0x5, v19  }
0x139: {  	v15 =	vadd.s32 v23, v15;
	v18 =	vld.idx.msk [tilespmem:v16+s17+$0x0], $0xffff;
	v11 =	vsel vm11, v11, v19  }
0x13a: {  	v11 =	vadd.s32 v11, v15;
	_ =	sdelay $0x3  }
0x13b: {  	[tilespmem:v9+s19+$0x0] =	vst.idx.msk $0xffff, v18  }
0x13c: {  	v9 =	vld.idx.msk [tilespmem:v11+s16+$0x0], $0xffff;
	_ =	sdelay $0x4  }
0x13d: {  	[tilespmem:v14+s19+$0x0] =	vst.idx.msk $0xffff, v9  }
0x13e: {  	v9 =	vld.idx.msk [tilespmem:v11+s17+$0x0], $0xffff;
	_ =	sdelay $0x4  }
0x13f: {  	[tilespmem:v13+s19+$0x0] =	vst.idx.msk $0xffff, v9  }
0x140: {  	v9 =	vld.idx.msk [tilespmem:v12+s14+$0x0], $0xffff  }
0x141: {  	v24 =	vld.idx.msk [tilespmem:v16+s14+$0x0], $0xffff  }
0x142: {  	v11 =	vld.idx.msk [tilespmem:v11+s14+$0x0], $0xffff;
	_ =	sdelay $0x3  }
0x143: {  	v9 =	vadd.s32 v9, v24  }
0x144: {  	v25 =	vadd.s32 s29, v1;
	v9 =	vadd.s32 v11, v9  }
0x145: {  	[tilespmem:s30+$0x0] =	vst v9  }
0x146: {  	v9 =	vld.idx.msk [tilespmem:v10+s3+$0x0], $0xffff  }
0x147: {  	v26 =	vadd.s32 s29, v2;
	_ =	sdelay $0x1  }
0x148: {  	v11 =	vld.idx.msk [tilespmem:v25+s3+$0x0], $0xffff  }
0x149: {  	v27 =	vadd.s32 s29, v3  }
0x14a: {  	v43 =	vadd.s32 s29, v4;
	v44 =	vadd.s32 s29, v5;
	vm12 =	vgt.f32 v9, $-1.422951340e+00  }
0x14b: {  	v32 =	vld.idx.msk [tilespmem:v26+s3+$0x0], $0xffff;
	vm2 =	vgt.f32 v9, $-7.924895880e-01;
	vm0 =	vgt.f32 v9, $1.135560630e+00;
	vm3 =	vgt.f32 v9, $-4.372779130e-01  }
0x14c: {  	vm1 =	vgt.f32 v9, $5.050989390e-01;
	vm4 =	vgt.f32 v9, $-1.436953540e-01;
	vm5 =	vgt.f32 v9, $1.498872040e-01  }
0x14d: {  	vm13 =	vgt.f32 v11, $-1.422951340e+00;
	vm6 =	vgt.f32 v11, $-7.924895880e-01;
	v28 =	vsel vm12, $0x8, v6  }
0x14e: {  	vm14 =	vgt.f32 v11, $-4.372779130e-01;
	vm15 =	vgt.f32 v11, $-1.436953540e-01;
	v29 =	vadd.s32 $0x8, v28  }
0x14f: {  	vm9 =	vgt.f32 v11, $1.498872040e-01;
	vm10 =	vgt.f32 v11, $5.050989390e-01;
	v9 =	vsel vm2, v29, v28  }
0x150: {  	vm11 =	vgt.f32 v11, $1.135560630e+00;
	vm8 =	vgt.f32 v32, $5.050989390e-01;
	v15 =	vadd.s32 $0x8, v9  }
0x151: {  	v30 =	vsel vm13, $0x1, v6;
	v31 =	vsel vm6, $0x1, v6;
	v9 =	vsel vm3, v15, v9  }
0x152: {  	v33 =	vsel vm14, $0x1, v6;
	v35 =	vsel vm15, $0x1, v6;
	v34 =	vadd.s32 $0x8, v9  }
0x153: {  	v36 =	vsel vm9, $0x1, v6;
	v37 =	vsel vm10, $0x1, v6;
	v9 =	vsel vm4, v34, v9  }
0x154: {  	v38 =	vsel vm11, $0x1, v6;
	v16 =	vadd.s32 v30, v31;
	v18 =	vadd.s32 $0x8, v9  }
0x155: {  	v39 =	vld.idx.msk [tilespmem:v27+s3+$0x0], $0xffff;
	vm12 =	vgt.f32 v32, $-1.422951340e+00;
	v15 =	vadd.s32 v33, v16;
	v9 =	vsel vm5, v18, v9  }
0x156: {  	vm13 =	vgt.f32 v32, $-7.924895880e-01;
	v15 =	vadd.s32 v35, v15;
	v11 =	vadd.s32 $0x8, v9  }
0x157: {  	vm14 =	vgt.f32 v32, $-4.372779130e-01;
	v15 =	vadd.s32 v36, v15;
	v9 =	vsel vm1, v11, v9  }
0x158: {  	vm15 =	vgt.f32 v32, $-1.436953540e-01;
	v15 =	vadd.s32 v37, v15;
	v40 =	vadd.s32 $0x8, v9  }
0x159: {  	v15 =	vadd.s32 v38, v15;
	v11 =	vsel vm12, $0x48, v7;
	v9 =	vsel vm0, v40, v9  }
0x15a: {  	vm9 =	vgt.f32 v39, $-1.422951340e+00;
	v41 =	vadd.s32 $0x8, v11;
	v9 =	vadd.s32 v9, v15  }
0x15b: {  	vm10 =	vgt.f32 v39, $-7.924895880e-01;
	vm11 =	vgt.f32 v39, $1.135560630e+00;
	v11 =	vsel vm13, v41, v11  }
0x15c: {  	vm6 =	vgt.f32 v32, $1.135560630e+00;
	v45 =	vsel vm9, $0x1, v6;
	v42 =	vadd.s32 $0x8, v11  }
0x15d: {  	v46 =	vsel vm10, $0x1, v6;
	vm5 =	vgt.f32 v39, $1.498872040e-01;
	v11 =	vsel vm14, v42, v11  }
0x15e: {  	v50 =	vsel vm5, $0x1, v6;
	vm14 =	vgt.f32 v39, $-4.372779130e-01;
	v15 =	vadd.s32 $0x8, v11  }
0x15f: {  	vm12 =	vgt.f32 v32, $1.498872040e-01;
	v23 =	vsel vm14, $0x1, v6;
	v11 =	vsel vm15, v15, v11;
	v21 =	vld.idx.msk [tilespmem:v9+s16+$0x0], $0xffff  }
0x160: {  	v15 =	vadd.s32 v45, v46;
	vm15 =	vgt.f32 v39, $-1.436953540e-01;
	v22 =	vadd.s32 $0x8, v11  }
0x161: {  	v15 =	vadd.s32 v23, v15;
	v48 =	vsel vm15, $0x1, v6;
	v11 =	vsel vm12, v22, v11  }
0x162: {  	vm13 =	vgt.f32 v39, $5.050989390e-01;
	v15 =	vadd.s32 v48, v15;
	v47 =	vadd.s32 $0x8, v11  }
0x163: {  	v51 =	vld.idx.msk [tilespmem:v43+s3+$0x0], $0xffff;
	v53 =	vsel vm13, $0x1, v6;
	v15 =	vadd.s32 v50, v15;
	v11 =	vsel vm8, v47, v11  }
0x164: {  	v49 =	vld.idx.msk [tilespmem:v44+s3+$0x0], $0xffff;
	v15 =	vadd.s32 v53, v15;
	v52 =	vadd.s32 $0x8, v11;
	[tilespmem:v10+s19+$0x0] =	vst.idx.msk $0xffff, v21;
	v10 =	vsel vm11, $0x1, v6  }
0x165: {  	v11 =	vsel vm6, v52, v11;
	v54 =	vld.idx.msk [tilespmem:v9+s17+$0x0], $0xffff;
	v10 =	vadd.s32 v10, v15  }
0x166: {  	v10 =	vadd.s32 v11, v10;
	_ =	sdelay $0x1  }
0x167: {  	vm7 =	vgt.f32 v51, $-1.298920630e+00  }
0x168: {  	v11 =	vsel vm7, $0x85, v8  }
0x169: {  	vm9 =	vgt.f32 v51, $-6.256977320e-01;
	vm10 =	vgt.f32 v49, $-2.551464440e-01;
	v55 =	vadd.s32 $0x5, v11;
	[tilespmem:v25+s19+$0x0] =	vst.idx.msk $0xffff, v54  }
0x16a: {  	v59 =	vsel vm10, $0x1, v6;
	vm13 =	vgt.f32 v51, $2.206488700e-01;
	v11 =	vsel vm9, v55, v11;
	v56 =	vld.idx.msk [tilespmem:v10+s16+$0x0], $0xffff  }
0x16b: {  	vm14 =	vgt.f32 v49, $9.712446920e-01;
	vm12 =	vgt.f32 v51, $-2.025244390e-01;
	v58 =	vadd.s32 $0x5, v11  }
0x16c: {  	v62 =	vsel vm14, $0x1, v6;
	vm8 =	vgt.f32 v49, $-9.712446920e-01;
	v11 =	vsel vm12, v58, v11  }
0x16d: {  	v57 =	vsel vm8, $0x1, v6;
	vm11 =	vgt.f32 v49, $2.551464440e-01;
	v17 =	vadd.s32 $0x5, v11  }
0x16e: {  	v12 =	vadd.s32 v57, v59;
	v60 =	vsel vm11, $0x1, v6;
	v11 =	vsel vm13, v17, v11  }
0x16f: {  	vm15 =	vgt.f32 v51, $8.938717840e-01;
	v12 =	vadd.s32 v60, v12;
	v61 =	vadd.s32 $0x5, v11;
	[tilespmem:v26+s19+$0x0] =	vst.idx.msk $0xffff, v56  }
0x170: {  	v12 =	vadd.s32 v62, v12;
	v11 =	vsel vm15, v61, v11;
	v63 =	vld.idx.msk [tilespmem:v10+s17+$0x0], $0xffff  }
0x171: {  	v11 =	vadd.s32 v11, v12;
	_ =	sdelay $0x3  }
0x172: {  	[tilespmem:v27+s19+$0x0] =	vst.idx.msk $0xffff, v63  }
0x173: {  	v12 =	vld.idx.msk [tilespmem:v11+s16+$0x0], $0xffff;
	_ =	sdelay $0x4  }
0x174: {  	[tilespmem:v43+s19+$0x0] =	vst.idx.msk $0xffff, v12  }
0x175: {  	v12 =	vld.idx.msk [tilespmem:v11+s17+$0x0], $0xffff;
	_ =	sdelay $0x4  }
0x176: {  	[tilespmem:v44+s19+$0x0] =	vst.idx.msk $0xffff, v12  }
0x177: {  	v9 =	vld.idx.msk [tilespmem:v9+s14+$0x0], $0xffff  }
0x178: {  	v10 =	vld.idx.msk [tilespmem:v10+s14+$0x0], $0xffff  }
0x179: {  	v11 =	vld.idx.msk [tilespmem:v11+s14+$0x0], $0xffff;
	_ =	sdelay $0x3  }
0x17a: {  	v9 =	vadd.s32 v9, v10  }
0x17b: {  	s0 =	sadd.s32 $0x10, s28;
	v9 =	vadd.s32 v11, v9  }
0x17c: {  	[tilespmem:s0+$0x0] =	vst v9  }
0x17d: {  	[hbm4b:s10+s3] =	stream.linear.scatter [tilespmem:s22], [sflag:$0x3], $0x1800, $0x38;
	[tilespmem:$0x6B00] =	vst v63  }
0x17e: {  	_ = 	snop  }
0x17f: {  	[hbm4b:s11+s3] =	stream.linear.scatter [tilespmem:s23], [sflag:$0x4], $0x400, $0x38;
	[tilespmem:$0x6B00] =	vst v63  }
0x180: {  	_ =	swait.ge [sflag:s24], $0x1800  }
0x181: {  	[sflag:s24] =	ssyncset.done $0x0  }
0x182: {  	[sflag:s24] =	ssyncadd.s32 $0xFFFFE800  }
0x183: {  	_ =	swait.ge [sflag:s25], $0x400  }
0x184: {  	[sflag:s25] =	ssyncset.done $0x0  }
0x185: {  	s26 =	sadd.s32 $0x1, s26;
	[sflag:s25] =	ssyncadd.s32 $0xFFFFFC00  }
0x186: {  	p0 =	sne.s32 s26, s12;
	_ =	swait.ge [sflag:s24], $0x1800  }
.Ltmp2:
0x187: {  	[sflag:s24] =	ssyncset.done $0x0;
	(pc) =	sbr.rel @p0 .LBB2_1-.Ltmp2, $4  }
0x188: {  	[sflag:s24] =	ssyncadd.s32 $0xFFFFE800  }
0x189: {  	_ =	swait.ge [sflag:s25], $0x400  }
0x18a: {  	[sflag:s25] =	ssyncset.done $0x0  }
0x18b: {  	[sflag:s25] =	ssyncadd.s32 $0xFFFFFC00  }
0x18c: {  	_ =	sfence.sel $0x180000  }
0x18d: {  	[bflag:$0x0] =	sbarrier.arrive $0xFFFF  }
0x18e: {  	_ =	strace $0x90000047  }
0x18f: {  	[bflag:$0x2] =	sbarrier.arrive $0xFFFF  }
0x190: {  	p0 =	sne.s32 s1, $0x0;
	s0 =	rddreg [dreg:$0x3]  }
0x191: {  	s0 =	sadd.s32 @!p0 $0x100000, s0  }
0x192: {  	[sflag:s0] =	ssyncadd.tile.s32 @!p0 $0x1;
	_ =	shalt  }
.Lfunc_end2:
_tile_overlayer_lowered:
.L_overlay_start_2:
0x193: {  	(tag) =	ssettag $0x2  }
0x194: {  	s0 =	rddreg [dreg:$0x0];
	s2 =	stileid.u32  }
0x195: {  	s1 =	rddreg [dreg:$0x1];
	p0 =	sne.s32 s2, $0x0  }
0x196: {  	s3 =	rddreg [dreg:$0x2];
	[bflag:$0x3] =	sbarrier.arrive $0xFFFF;
	s2 =	simm.s32 @!p0 $0x1C05  }
0x197: {  	[timem:s3], [sflag:s2] =	dma.local @!p0 [hbm:s0], s1  }
0x198: {  	s0 =	simm.s32 @!p0 $0x5  }
0x199: {  	_ =	swait.ge @!p0 [sflag:s0], s1  }
0x19a: {  	s1 =	ssub.s32 @!p0 $0x0, s1;
	[sflag:s0] =	ssyncset.done @!p0 $0x0  }
0x19b: {  	[sflag:s0] =	ssyncadd.s32 @!p0 s1  }
0x19c: {  	[bflag:$0x3] =	sbarrier.arrive $0xFFFF  }
0x19d: {  	_ =	shalt  }

</sc_bundles>
